<compile_context>
chip_gen: v7x
topology: tpu7x:2x2x1
jax: 0.10.2.dev20260603
libtpu: 0.0.44.dev20260713+nightly
codegen_flags: <defaults>
</compile_context>

<pallas_src>
import functools

import jax
import jax.numpy as jnp
import numpy as np
from jax import lax
from jax.experimental import pallas as pl
from jax.experimental.pallas import tpu as pltpu
from jax.experimental.pallas import tpu_sc as plsc

VOCAB = 100000
DIM = 64
BATCH = 16384

_INFO = plsc.get_sparse_core_info()
_NC, _NS = _INFO.num_cores, _INFO.num_subcores
_NW = _NC * _NS
_ROWS_PER_W = DIM // _NW
_TCHUNK = 4096
_NCHUNKS = BATCH // _TCHUNK
_L = 16


@functools.partial(
    pl.kernel,
    mesh=plsc.VectorSubcoreMesh(core_axis_name="c", subcore_axis_name="s"),
    out_type=jax.ShapeDtypeStruct((DIM, BATCH), jnp.float32),
    scratch_types=[
        pltpu.VMEM((BATCH,), jnp.int32),
        pltpu.VMEM((VOCAB,), jnp.float32),
        pltpu.VMEM((_TCHUNK,), jnp.float32),
        pltpu.VMEM((_TCHUNK,), jnp.float32),
        pltpu.VMEM_SHARED((BATCH,), jnp.int32),
        pltpu.SemaphoreType.DMA,
        pltpu.SemaphoreType.DMA,
        pltpu.SemaphoreType.DMA,
        pltpu.SemaphoreType.DMA,
    ],
    compiler_params=pltpu.CompilerParams(needs_layout_passes=False),
)
def _gather_kernel(idx_hbm, tableT_hbm, outT_hbm, tok_v, row_v, ob0, ob1,
                   tok_sh, sem_t, sem_r, sem_o0, sem_o1):
    sid = lax.axis_index("s")
    wid = sid * _NC + lax.axis_index("c")
    d0 = wid * np.int32(_ROWS_PER_W)

    row_cp = pltpu.async_copy(tableT_hbm.at[d0], row_v, sem_r)
    @pl.when(sid == np.int32(0))
    def _():
        pltpu.sync_copy(idx_hbm, tok_sh)
    plsc.subcore_barrier()
    pltpu.async_copy(tok_sh, tok_v, sem_t).wait()
    obufs = (ob0, ob1)
    osems = (sem_o0, sem_o1)
    out_cps = [None, None]
    for r in range(_ROWS_PER_W):
        d = d0 + np.int32(r)
        row_cp.wait()
        for c in range(_NCHUNKS):
            b = c % 2
            ob = obufs[b]
            if out_cps[b] is not None:
                out_cps[b].wait()
            base = np.int32(c * _TCHUNK)

            @plsc.parallel_loop(base, np.int32((c + 1) * _TCHUNK),
                                step=np.int32(_L), unroll=4)
            def body(i):
                tok = tok_v[pl.ds(i, _L)]
                ob[pl.ds(i - base, _L)] = plsc.load_gather(row_v, [tok])

            if r == 0 and c == _NCHUNKS - 1:
                row_cp = pltpu.async_copy(tableT_hbm.at[d0 + np.int32(1)],
                                          row_v, sem_r)
            out_cps[b] = pltpu.async_copy(
                ob, outT_hbm.at[d, pl.ds(int(base), _TCHUNK)], osems[b])
    for cp in out_cps:
        cp.wait()


def kernel(input_tokens, table):
    idx = input_tokens.astype(jnp.int32)
    outT = _gather_kernel(idx, table.T)
    return outT.T

# --- scband reference (transcript-rebuilt; emitter-appended) ---
"""Pipeline reference for scband-custom-embedding-37821482008836 (READ-ONLY COPY).

The authoritative reference and input builder live on the scoring server;
editing this copy changes nothing except your own understanding.
"""

import jax
jax.config.update("jax_enable_x64", True)
import jax.numpy as jnp
import numpy as np

VOCAB = 100000
DIM = 64
BATCH = 16384


def setup_inputs(seed: int = 0) -> dict:
    key = jax.random.key(seed)
    k_table, k_idx = jax.random.split(key)
    # The original module stores a python dict {token_index: embedding_vector[DIM]}.
    # Mathematically this is a dense embedding table of shape [VOCAB, DIM].
    table = jax.random.normal(k_table, (VOCAB, DIM), dtype=jnp.float32)
    input_tokens = jax.random.randint(k_idx, (BATCH,), 0, VOCAB, dtype=jnp.int64)
    return {"input_tokens": input_tokens, "table": table}


def reference(input_tokens, table):
    # Original forward: per-token dict lookup followed by pad_sequence(batch_first=True).
    # Each looked-up embedding is a fixed-length 1-D vector of size DIM, so
    # pad_sequence introduces no padding and is exactly a stack -> gather.
    padded_embeddings = jnp.take(table, input_tokens, axis=0)
    return padded_embeddings

if __name__ == "__main__":
    import jax
    _d = setup_inputs()
    print(jax.jit(kernel)(*tuple(_d.values())))

</pallas_src>

<mosaic_0001>
#map = affine_map<(d0, d1) -> (0)>
#map1 = affine_map<(d0, d1) -> (0, 0)>
module attributes {stable_mosaic.version = 14 : i64} {
  func.func @_gather_kernel(%arg0: i32, %arg1: i32, %arg2: memref<16384xi32, #tpu.memory_space<hbm>>, %arg3: memref<64x100000xf32, #tpu.memory_space<hbm>>, %arg4: memref<64x16384xf32, #tpu.memory_space<hbm>>, %arg5: memref<16384xi32, #tpu.memory_space<vmem>>, %arg6: memref<100000xf32, #tpu.memory_space<vmem>>, %arg7: memref<4096xf32, #tpu.memory_space<vmem>>, %arg8: memref<4096xf32, #tpu.memory_space<vmem>>, %arg9: memref<16384xi32, #tpu.memory_space<vmem_shared>>, %arg10: memref<!tpu.dma_semaphore, #tpu.memory_space<semaphore_mem>>, %arg11: memref<!tpu.dma_semaphore, #tpu.memory_space<semaphore_mem>>, %arg12: memref<!tpu.dma_semaphore, #tpu.memory_space<semaphore_mem>>, %arg13: memref<!tpu.dma_semaphore, #tpu.memory_space<semaphore_mem>>) attributes {dimension_semantics = [#tpu.dimension_semantics<core_parallel>, #tpu.dimension_semantics<subcore_parallel>], iteration_bounds = array<i64: 2, 16>, scalar_prefetch = 0 : i64, scratch_operands = 9 : i64, tpu.core_type = #tpu.core_type<sc_vector_subcore>, window_params = [{transform_indices = #map}, {transform_indices = #map1}, {transform_indices = #map1}]} {
    %mul3A = arith.constant 2 : i32
    %mul3A_0 = arith.muli %arg1, %mul3A : i32
    %add3A = arith.addi %mul3A_0, %arg0 : i32
    %mul3A_1 = arith.constant 2 : i32
    %mul3A_2 = arith.muli %add3A, %mul3A_1 : i32
    %dma_start3A = arith.constant 0 : i32
    %dma_start3A_3 = tpu.memref_slice %arg3[%mul3A_2, %dma_start3A] : memref<64x100000xf32, #tpu.memory_space<hbm>> -> memref<1x100000xf32, #tpu.memory_space<hbm>>
    %dma_start3A_4 = tpu.memref_squeeze %dma_start3A_3 : memref<1x100000xf32, #tpu.memory_space<hbm>> -> memref<100000xf32, #tpu.memory_space<hbm>>
    %dma_start3A_5 = arith.constant 0 : i32
    %dma_start3A_6 = tpu.memref_slice %arg3[%mul3A_2, %dma_start3A_5] : memref<64x100000xf32, #tpu.memory_space<hbm>> -> memref<1x100000xf32, #tpu.memory_space<hbm>>
    %dma_start3A_7 = tpu.memref_squeeze %dma_start3A_6 : memref<1x100000xf32, #tpu.memory_space<hbm>> -> memref<100000xf32, #tpu.memory_space<hbm>>
    tpu.enqueue_dma source(%dma_start3A_7 : memref<100000xf32, #tpu.memory_space<hbm>>) target(%arg6 : memref<100000xf32, #tpu.memory_space<vmem>>) target_semaphore(%arg11 : memref<!tpu.dma_semaphore, #tpu.memory_space<semaphore_mem>>)
    %eq3A = arith.constant 0 : i32
    %eq3A_8 = arith.cmpi eq, %arg1, %eq3A : i32
    %convert_element_type3A = arith.extui %eq3A_8 : i1 to i32
    %cond3A = arith.constant 0 : i32
    %cond3A_9 = arith.cmpi ne, %convert_element_type3A, %cond3A : i32
    scf.if %cond3A_9 {
      "tpu.region"() ({
        %run_scoped3A = tpu.sem_alloc : memref<!tpu.dma_semaphore, #tpu.memory_space<semaphore_mem>>
        tpu.enqueue_dma source(%arg2 : memref<16384xi32, #tpu.memory_space<hbm>>) target(%arg9 : memref<16384xi32, #tpu.memory_space<vmem_shared>>) target_semaphore(%run_scoped3A : memref<!tpu.dma_semaphore, #tpu.memory_space<semaphore_mem>>)
        tpu.wait_dma2 semaphore(%run_scoped3A : memref<!tpu.dma_semaphore, #tpu.memory_space<semaphore_mem>>) src(%arg2 : memref<16384xi32, #tpu.memory_space<hbm>>) dst(%arg9 : memref<16384xi32, #tpu.memory_space<vmem_shared>>)
        tpu.yield
      }) : () -> ()
    } else {
    }
    %barrier3A = arith.constant 0 : index
    tpu.barrier barrier_id(%barrier3A)
    tpu.enqueue_dma source(%arg9 : memref<16384xi32, #tpu.memory_space<vmem_shared>>) target(%arg5 : memref<16384xi32, #tpu.memory_space<vmem>>) target_semaphore(%arg10 : memref<!tpu.dma_semaphore, #tpu.memory_space<semaphore_mem>>)
    tpu.wait_dma2 semaphore(%arg10 : memref<!tpu.dma_semaphore, #tpu.memory_space<semaphore_mem>>) src(%arg9 : memref<16384xi32, #tpu.memory_space<vmem_shared>>) dst(%arg5 : memref<16384xi32, #tpu.memory_space<vmem>>)
    %add3A_10 = arith.constant 0 : i32
    %add3A_11 = arith.addi %mul3A_2, %add3A_10 : i32
    %dma_wait3A = arith.constant 0 : i32
    %dma_wait3A_12 = tpu.memref_slice %arg3[%mul3A_2, %dma_wait3A] : memref<64x100000xf32, #tpu.memory_space<hbm>> -> memref<1x100000xf32, #tpu.memory_space<hbm>>
    %dma_wait3A_13 = tpu.memref_squeeze %dma_wait3A_12 : memref<1x100000xf32, #tpu.memory_space<hbm>> -> memref<100000xf32, #tpu.memory_space<hbm>>
    %dma_wait3A_14 = arith.constant 0 : i32
    %dma_wait3A_15 = tpu.memref_slice %arg3[%mul3A_2, %dma_wait3A_14] : memref<64x100000xf32, #tpu.memory_space<hbm>> -> memref<1x100000xf32, #tpu.memory_space<hbm>>
    %dma_wait3A_16 = tpu.memref_squeeze %dma_wait3A_15 : memref<1x100000xf32, #tpu.memory_space<hbm>> -> memref<100000xf32, #tpu.memory_space<hbm>>
    tpu.wait_dma2 semaphore(%arg11 : memref<!tpu.dma_semaphore, #tpu.memory_space<semaphore_mem>>) src(%dma_wait3A_16 : memref<100000xf32, #tpu.memory_space<hbm>>) dst(%arg6 : memref<100000xf32, #tpu.memory_space<vmem>>)
    %parallel_loop3A = arith.constant 0 : i32
    %parallel_loop3A_17 = arith.constant 4096 : i32
    %parallel_loop3A_18 = arith.constant 16 : i32
    scf.for %parallel_loop3A_152 = %parallel_loop3A to %parallel_loop3A_17 step %parallel_loop3A_18  : i32 {
      %parallel_loop3A_153 = arith.index_cast %parallel_loop3A_152 : i32 to index
      %parallel_loop3A_154 = tpu.vector_load %arg5[%parallel_loop3A_153] {strides = array<i32>} : memref<16384xi32, #tpu.memory_space<vmem>>, vector<16xi32>,
      %parallel_loop3A_155 = tpu.vector_load_idx %arg6[%parallel_loop3A_154] : memref<100000xf32, #tpu.memory_space<vmem>>[vector<16xi32>], vector<16xf32>,
      %parallel_loop3A_156 = arith.constant 0 : i32
      %parallel_loop3A_157 = arith.subi %parallel_loop3A_152, %parallel_loop3A_156 : i32
      %parallel_loop3A_158 = arith.index_cast %parallel_loop3A_157 : i32 to index
      %parallel_loop3A_159 = tpu.vector_load %arg7[%parallel_loop3A_158] {strides = array<i32>} : memref<4096xf32, #tpu.memory_space<vmem>>, vector<16xf32>,
      tpu.vector_store %arg7[%parallel_loop3A_158], %parallel_loop3A_155 {strides = array<i32>} : memref<4096xf32, #tpu.memory_space<vmem>>, vector<16xf32>,
    } {sc.loop_unroll_factor = 4 : i64, sc.parallel_access}
    %dma_start3A_19 = arith.constant 0 : i32
    %dma_start3A_20 = tpu.memref_slice %arg4[%add3A_11, %dma_start3A_19] : memref<64x16384xf32, #tpu.memory_space<hbm>> -> memref<1x4096xf32, #tpu.memory_space<hbm>>
    %dma_start3A_21 = tpu.memref_squeeze %dma_start3A_20 : memref<1x4096xf32, #tpu.memory_space<hbm>> -> memref<4096xf32, #tpu.memory_space<hbm>>
    %dma_start3A_22 = arith.constant 0 : i32
    %dma_start3A_23 = tpu.memref_slice %arg4[%add3A_11, %dma_start3A_22] : memref<64x16384xf32, #tpu.memory_space<hbm>> -> memref<1x4096xf32, #tpu.memory_space<hbm>>
    %dma_start3A_24 = tpu.memref_squeeze %dma_start3A_23 : memref<1x4096xf32, #tpu.memory_space<hbm>> -> memref<4096xf32, #tpu.memory_space<hbm>>
    tpu.enqueue_dma source(%arg7 : memref<4096xf32, #tpu.memory_space<vmem>>) target(%dma_start3A_24 : memref<4096xf32, #tpu.memory_space<hbm>>) target_semaphore(%arg12 : memref<!tpu.dma_semaphore, #tpu.memory_space<semaphore_mem>>)
    %parallel_loop3A_25 = arith.constant 4096 : i32
    %parallel_loop3A_26 = arith.constant 8192 : i32
    %parallel_loop3A_27 = arith.constant 16 : i32
    scf.for %parallel_loop3A_152 = %parallel_loop3A_25 to %parallel_loop3A_26 step %parallel_loop3A_27  : i32 {
      %parallel_loop3A_153 = arith.index_cast %parallel_loop3A_152 : i32 to index
      %parallel_loop3A_154 = tpu.vector_load %arg5[%parallel_loop3A_153] {strides = array<i32>} : memref<16384xi32, #tpu.memory_space<vmem>>, vector<16xi32>,
      %parallel_loop3A_155 = tpu.vector_load_idx %arg6[%parallel_loop3A_154] : memref<100000xf32, #tpu.memory_space<vmem>>[vector<16xi32>], vector<16xf32>,
      %parallel_loop3A_156 = arith.constant 4096 : i32
      %parallel_loop3A_157 = arith.subi %parallel_loop3A_152, %parallel_loop3A_156 : i32
      %parallel_loop3A_158 = arith.index_cast %parallel_loop3A_157 : i32 to index
      %parallel_loop3A_159 = tpu.vector_load %arg8[%parallel_loop3A_158] {strides = array<i32>} : memref<4096xf32, #tpu.memory_space<vmem>>, vector<16xf32>,
      tpu.vector_store %arg8[%parallel_loop3A_158], %parallel_loop3A_155 {strides = array<i32>} : memref<4096xf32, #tpu.memory_space<vmem>>, vector<16xf32>,
    } {sc.loop_unroll_factor = 4 : i64, sc.parallel_access}
    %dma_start3A_28 = arith.constant 4096 : i32
    %dma_start3A_29 = tpu.memref_slice %arg4[%add3A_11, %dma_start3A_28] : memref<64x16384xf32, #tpu.memory_space<hbm>> -> memref<1x4096xf32, #tpu.memory_space<hbm>>
    %dma_start3A_30 = tpu.memref_squeeze %dma_start3A_29 : memref<1x4096xf32, #tpu.memory_space<hbm>> -> memref<4096xf32, #tpu.memory_space<hbm>>
    %dma_start3A_31 = arith.constant 4096 : i32
    %dma_start3A_32 = tpu.memref_slice %arg4[%add3A_11, %dma_start3A_31] : memref<64x16384xf32, #tpu.memory_space<hbm>> -> memref<1x4096xf32, #tpu.memory_space<hbm>>
    %dma_start3A_33 = tpu.memref_squeeze %dma_start3A_32 : memref<1x4096xf32, #tpu.memory_space<hbm>> -> memref<4096xf32, #tpu.memory_space<hbm>>
    tpu.enqueue_dma source(%arg8 : memref<4096xf32, #tpu.memory_space<vmem>>) target(%dma_start3A_33 : memref<4096xf32, #tpu.memory_space<hbm>>) target_semaphore(%arg13 : memref<!tpu.dma_semaphore, #tpu.memory_space<semaphore_mem>>)
    %dma_wait3A_34 = arith.constant 0 : i32
    %dma_wait3A_35 = tpu.memref_slice %arg4[%add3A_11, %dma_wait3A_34] : memref<64x16384xf32, #tpu.memory_space<hbm>> -> memref<1x4096xf32, #tpu.memory_space<hbm>>
    %dma_wait3A_36 = tpu.memref_squeeze %dma_wait3A_35 : memref<1x4096xf32, #tpu.memory_space<hbm>> -> memref<4096xf32, #tpu.memory_space<hbm>>
    %dma_wait3A_37 = arith.constant 0 : i32
    %dma_wait3A_38 = tpu.memref_slice %arg4[%add3A_11, %dma_wait3A_37] : memref<64x16384xf32, #tpu.memory_space<hbm>> -> memref<1x4096xf32, #tpu.memory_space<hbm>>
    %dma_wait3A_39 = tpu.memref_squeeze %dma_wait3A_38 : memref<1x4096xf32, #tpu.memory_space<hbm>> -> memref<4096xf32, #tpu.memory_space<hbm>>
    tpu.wait_dma2 semaphore(%arg12 : memref<!tpu.dma_semaphore, #tpu.memory_space<semaphore_mem>>) src(%arg7 : memref<4096xf32, #tpu.memory_space<vmem>>) dst(%dma_wait3A_39 : memref<4096xf32, #tpu.memory_space<hbm>>)
    %parallel_loop3A_40 = arith.constant 8192 : i32
    %parallel_loop3A_41 = arith.constant 12288 : i32
    %parallel_loop3A_42 = arith.constant 16 : i32
    scf.for %parallel_loop3A_152 = %parallel_loop3A_40 to %parallel_loop3A_41 step %parallel_loop3A_42  : i32 {
      %parallel_loop3A_153 = arith.index_cast %parallel_loop3A_152 : i32 to index
      %parallel_loop3A_154 = tpu.vector_load %arg5[%parallel_loop3A_153] {strides = array<i32>} : memref<16384xi32, #tpu.memory_space<vmem>>, vector<16xi32>,
      %parallel_loop3A_155 = tpu.vector_load_idx %arg6[%parallel_loop3A_154] : memref<100000xf32, #tpu.memory_space<vmem>>[vector<16xi32>], vector<16xf32>,
      %parallel_loop3A_156 = arith.constant 8192 : i32
      %parallel_loop3A_157 = arith.subi %parallel_loop3A_152, %parallel_loop3A_156 : i32
      %parallel_loop3A_158 = arith.index_cast %parallel_loop3A_157 : i32 to index
      %parallel_loop3A_159 = tpu.vector_load %arg7[%parallel_loop3A_158] {strides = array<i32>} : memref<4096xf32, #tpu.memory_space<vmem>>, vector<16xf32>,
      tpu.vector_store %arg7[%parallel_loop3A_158], %parallel_loop3A_155 {strides = array<i32>} : memref<4096xf32, #tpu.memory_space<vmem>>, vector<16xf32>,
    } {sc.loop_unroll_factor = 4 : i64, sc.parallel_access}
    %dma_start3A_43 = arith.constant 8192 : i32
    %dma_start3A_44 = tpu.memref_slice %arg4[%add3A_11, %dma_start3A_43] : memref<64x16384xf32, #tpu.memory_space<hbm>> -> memref<1x4096xf32, #tpu.memory_space<hbm>>
    %dma_start3A_45 = tpu.memref_squeeze %dma_start3A_44 : memref<1x4096xf32, #tpu.memory_space<hbm>> -> memref<4096xf32, #tpu.memory_space<hbm>>
    %dma_start3A_46 = arith.constant 8192 : i32
    %dma_start3A_47 = tpu.memref_slice %arg4[%add3A_11, %dma_start3A_46] : memref<64x16384xf32, #tpu.memory_space<hbm>> -> memref<1x4096xf32, #tpu.memory_space<hbm>>
    %dma_start3A_48 = tpu.memref_squeeze %dma_start3A_47 : memref<1x4096xf32, #tpu.memory_space<hbm>> -> memref<4096xf32, #tpu.memory_space<hbm>>
    tpu.enqueue_dma source(%arg7 : memref<4096xf32, #tpu.memory_space<vmem>>) target(%dma_start3A_48 : memref<4096xf32, #tpu.memory_space<hbm>>) target_semaphore(%arg12 : memref<!tpu.dma_semaphore, #tpu.memory_space<semaphore_mem>>)
    %dma_wait3A_49 = arith.constant 4096 : i32
    %dma_wait3A_50 = tpu.memref_slice %arg4[%add3A_11, %dma_wait3A_49] : memref<64x16384xf32, #tpu.memory_space<hbm>> -> memref<1x4096xf32, #tpu.memory_space<hbm>>
    %dma_wait3A_51 = tpu.memref_squeeze %dma_wait3A_50 : memref<1x4096xf32, #tpu.memory_space<hbm>> -> memref<4096xf32, #tpu.memory_space<hbm>>
    %dma_wait3A_52 = arith.constant 4096 : i32
    %dma_wait3A_53 = tpu.memref_slice %arg4[%add3A_11, %dma_wait3A_52] : memref<64x16384xf32, #tpu.memory_space<hbm>> -> memref<1x4096xf32, #tpu.memory_space<hbm>>
    %dma_wait3A_54 = tpu.memref_squeeze %dma_wait3A_53 : memref<1x4096xf32, #tpu.memory_space<hbm>> -> memref<4096xf32, #tpu.memory_space<hbm>>
    tpu.wait_dma2 semaphore(%arg13 : memref<!tpu.dma_semaphore, #tpu.memory_space<semaphore_mem>>) src(%arg8 : memref<4096xf32, #tpu.memory_space<vmem>>) dst(%dma_wait3A_54 : memref<4096xf32, #tpu.memory_space<hbm>>)
    %parallel_loop3A_55 = arith.constant 12288 : i32
    %parallel_loop3A_56 = arith.constant 16384 : i32
    %parallel_loop3A_57 = arith.constant 16 : i32
    scf.for %parallel_loop3A_152 = %parallel_loop3A_55 to %parallel_loop3A_56 step %parallel_loop3A_57  : i32 {
      %parallel_loop3A_153 = arith.index_cast %parallel_loop3A_152 : i32 to index
      %parallel_loop3A_154 = tpu.vector_load %arg5[%parallel_loop3A_153] {strides = array<i32>} : memref<16384xi32, #tpu.memory_space<vmem>>, vector<16xi32>,
      %parallel_loop3A_155 = tpu.vector_load_idx %arg6[%parallel_loop3A_154] : memref<100000xf32, #tpu.memory_space<vmem>>[vector<16xi32>], vector<16xf32>,
      %parallel_loop3A_156 = arith.constant 12288 : i32
      %parallel_loop3A_157 = arith.subi %parallel_loop3A_152, %parallel_loop3A_156 : i32
      %parallel_loop3A_158 = arith.index_cast %parallel_loop3A_157 : i32 to index
      %parallel_loop3A_159 = tpu.vector_load %arg8[%parallel_loop3A_158] {strides = array<i32>} : memref<4096xf32, #tpu.memory_space<vmem>>, vector<16xf32>,
      tpu.vector_store %arg8[%parallel_loop3A_158], %parallel_loop3A_155 {strides = array<i32>} : memref<4096xf32, #tpu.memory_space<vmem>>, vector<16xf32>,
    } {sc.loop_unroll_factor = 4 : i64, sc.parallel_access}
    %add3A_58 = arith.constant 1 : i32
    %add3A_59 = arith.addi %mul3A_2, %add3A_58 : i32
    %dma_start3A_60 = arith.constant 0 : i32
    %dma_start3A_61 = tpu.memref_slice %arg3[%add3A_59, %dma_start3A_60] : memref<64x100000xf32, #tpu.memory_space<hbm>> -> memref<1x100000xf32, #tpu.memory_space<hbm>>
    %dma_start3A_62 = tpu.memref_squeeze %dma_start3A_61 : memref<1x100000xf32, #tpu.memory_space<hbm>> -> memref<100000xf32, #tpu.memory_space<hbm>>
    %dma_start3A_63 = arith.constant 0 : i32
    %dma_start3A_64 = tpu.memref_slice %arg3[%add3A_59, %dma_start3A_63] : memref<64x100000xf32, #tpu.memory_space<hbm>> -> memref<1x100000xf32, #tpu.memory_space<hbm>>
    %dma_start3A_65 = tpu.memref_squeeze %dma_start3A_64 : memref<1x100000xf32, #tpu.memory_space<hbm>> -> memref<100000xf32, #tpu.memory_space<hbm>>
    tpu.enqueue_dma source(%dma_start3A_65 : memref<100000xf32, #tpu.memory_space<hbm>>) target(%arg6 : memref<100000xf32, #tpu.memory_space<vmem>>) target_semaphore(%arg11 : memref<!tpu.dma_semaphore, #tpu.memory_space<semaphore_mem>>)
    %dma_start3A_66 = arith.constant 12288 : i32
    %dma_start3A_67 = tpu.memref_slice %arg4[%add3A_11, %dma_start3A_66] : memref<64x16384xf32, #tpu.memory_space<hbm>> -> memref<1x4096xf32, #tpu.memory_space<hbm>>
    %dma_start3A_68 = tpu.memref_squeeze %dma_start3A_67 : memref<1x4096xf32, #tpu.memory_space<hbm>> -> memref<4096xf32, #tpu.memory_space<hbm>>
    %dma_start3A_69 = arith.constant 12288 : i32
    %dma_start3A_70 = tpu.memref_slice %arg4[%add3A_11, %dma_start3A_69] : memref<64x16384xf32, #tpu.memory_space<hbm>> -> memref<1x4096xf32, #tpu.memory_space<hbm>>
    %dma_start3A_71 = tpu.memref_squeeze %dma_start3A_70 : memref<1x4096xf32, #tpu.memory_space<hbm>> -> memref<4096xf32, #tpu.memory_space<hbm>>
    tpu.enqueue_dma source(%arg8 : memref<4096xf32, #tpu.memory_space<vmem>>) target(%dma_start3A_71 : memref<4096xf32, #tpu.memory_space<hbm>>) target_semaphore(%arg13 : memref<!tpu.dma_semaphore, #tpu.memory_space<semaphore_mem>>)
    %add3A_72 = arith.constant 1 : i32
    %add3A_73 = arith.addi %mul3A_2, %add3A_72 : i32
    %dma_wait3A_74 = arith.constant 0 : i32
    %dma_wait3A_75 = tpu.memref_slice %arg3[%add3A_59, %dma_wait3A_74] : memref<64x100000xf32, #tpu.memory_space<hbm>> -> memref<1x100000xf32, #tpu.memory_space<hbm>>
    %dma_wait3A_76 = tpu.memref_squeeze %dma_wait3A_75 : memref<1x100000xf32, #tpu.memory_space<hbm>> -> memref<100000xf32, #tpu.memory_space<hbm>>
    %dma_wait3A_77 = arith.constant 0 : i32
    %dma_wait3A_78 = tpu.memref_slice %arg3[%add3A_59, %dma_wait3A_77] : memref<64x100000xf32, #tpu.memory_space<hbm>> -> memref<1x100000xf32, #tpu.memory_space<hbm>>
    %dma_wait3A_79 = tpu.memref_squeeze %dma_wait3A_78 : memref<1x100000xf32, #tpu.memory_space<hbm>> -> memref<100000xf32, #tpu.memory_space<hbm>>
    tpu.wait_dma2 semaphore(%arg11 : memref<!tpu.dma_semaphore, #tpu.memory_space<semaphore_mem>>) src(%dma_wait3A_79 : memref<100000xf32, #tpu.memory_space<hbm>>) dst(%arg6 : memref<100000xf32, #tpu.memory_space<vmem>>)
    %dma_wait3A_80 = arith.constant 8192 : i32
    %dma_wait3A_81 = tpu.memref_slice %arg4[%add3A_11, %dma_wait3A_80] : memref<64x16384xf32, #tpu.memory_space<hbm>> -> memref<1x4096xf32, #tpu.memory_space<hbm>>
    %dma_wait3A_82 = tpu.memref_squeeze %dma_wait3A_81 : memref<1x4096xf32, #tpu.memory_space<hbm>> -> memref<4096xf32, #tpu.memory_space<hbm>>
    %dma_wait3A_83 = arith.constant 8192 : i32
    %dma_wait3A_84 = tpu.memref_slice %arg4[%add3A_11, %dma_wait3A_83] : memref<64x16384xf32, #tpu.memory_space<hbm>> -> memref<1x4096xf32, #tpu.memory_space<hbm>>
    %dma_wait3A_85 = tpu.memref_squeeze %dma_wait3A_84 : memref<1x4096xf32, #tpu.memory_space<hbm>> -> memref<4096xf32, #tpu.memory_space<hbm>>
    tpu.wait_dma2 semaphore(%arg12 : memref<!tpu.dma_semaphore, #tpu.memory_space<semaphore_mem>>) src(%arg7 : memref<4096xf32, #tpu.memory_space<vmem>>) dst(%dma_wait3A_85 : memref<4096xf32, #tpu.memory_space<hbm>>)
    %parallel_loop3A_86 = arith.constant 0 : i32
    %parallel_loop3A_87 = arith.constant 4096 : i32
    %parallel_loop3A_88 = arith.constant 16 : i32
    scf.for %parallel_loop3A_152 = %parallel_loop3A_86 to %parallel_loop3A_87 step %parallel_loop3A_88  : i32 {
      %parallel_loop3A_153 = arith.index_cast %parallel_loop3A_152 : i32 to index
      %parallel_loop3A_154 = tpu.vector_load %arg5[%parallel_loop3A_153] {strides = array<i32>} : memref<16384xi32, #tpu.memory_space<vmem>>, vector<16xi32>,
      %parallel_loop3A_155 = tpu.vector_load_idx %arg6[%parallel_loop3A_154] : memref<100000xf32, #tpu.memory_space<vmem>>[vector<16xi32>], vector<16xf32>,
      %parallel_loop3A_156 = arith.constant 0 : i32
      %parallel_loop3A_157 = arith.subi %parallel_loop3A_152, %parallel_loop3A_156 : i32
      %parallel_loop3A_158 = arith.index_cast %parallel_loop3A_157 : i32 to index
      %parallel_loop3A_159 = tpu.vector_load %arg7[%parallel_loop3A_158] {strides = array<i32>} : memref<4096xf32, #tpu.memory_space<vmem>>, vector<16xf32>,
      tpu.vector_store %arg7[%parallel_loop3A_158], %parallel_loop3A_155 {strides = array<i32>} : memref<4096xf32, #tpu.memory_space<vmem>>, vector<16xf32>,
    } {sc.loop_unroll_factor = 4 : i64, sc.parallel_access}
    %dma_start3A_89 = arith.constant 0 : i32
    %dma_start3A_90 = tpu.memref_slice %arg4[%add3A_73, %dma_start3A_89] : memref<64x16384xf32, #tpu.memory_space<hbm>> -> memref<1x4096xf32, #tpu.memory_space<hbm>>
    %dma_start3A_91 = tpu.memref_squeeze %dma_start3A_90 : memref<1x4096xf32, #tpu.memory_space<hbm>> -> memref<4096xf32, #tpu.memory_space<hbm>>
    %dma_start3A_92 = arith.constant 0 : i32
    %dma_start3A_93 = tpu.memref_slice %arg4[%add3A_73, %dma_start3A_92] : memref<64x16384xf32, #tpu.memory_space<hbm>> -> memref<1x4096xf32, #tpu.memory_space<hbm>>
    %dma_start3A_94 = tpu.memref_squeeze %dma_start3A_93 : memref<1x4096xf32, #tpu.memory_space<hbm>> -> memref<4096xf32, #tpu.memory_space<hbm>>
    tpu.enqueue_dma source(%arg7 : memref<4096xf32, #tpu.memory_space<vmem>>) target(%dma_start3A_94 : memref<4096xf32, #tpu.memory_space<hbm>>) target_semaphore(%arg12 : memref<!tpu.dma_semaphore, #tpu.memory_space<semaphore_mem>>)
    %dma_wait3A_95 = arith.constant 12288 : i32
    %dma_wait3A_96 = tpu.memref_slice %arg4[%add3A_11, %dma_wait3A_95] : memref<64x16384xf32, #tpu.memory_space<hbm>> -> memref<1x4096xf32, #tpu.memory_space<hbm>>
    %dma_wait3A_97 = tpu.memref_squeeze %dma_wait3A_96 : memref<1x4096xf32, #tpu.memory_space<hbm>> -> memref<4096xf32, #tpu.memory_space<hbm>>
    %dma_wait3A_98 = arith.constant 12288 : i32
    %dma_wait3A_99 = tpu.memref_slice %arg4[%add3A_11, %dma_wait3A_98] : memref<64x16384xf32, #tpu.memory_space<hbm>> -> memref<1x4096xf32, #tpu.memory_space<hbm>>
    %dma_wait3A_100 = tpu.memref_squeeze %dma_wait3A_99 : memref<1x4096xf32, #tpu.memory_space<hbm>> -> memref<4096xf32, #tpu.memory_space<hbm>>
    tpu.wait_dma2 semaphore(%arg13 : memref<!tpu.dma_semaphore, #tpu.memory_space<semaphore_mem>>) src(%arg8 : memref<4096xf32, #tpu.memory_space<vmem>>) dst(%dma_wait3A_100 : memref<4096xf32, #tpu.memory_space<hbm>>)
    %parallel_loop3A_101 = arith.constant 4096 : i32
    %parallel_loop3A_102 = arith.constant 8192 : i32
    %parallel_loop3A_103 = arith.constant 16 : i32
    scf.for %parallel_loop3A_152 = %parallel_loop3A_101 to %parallel_loop3A_102 step %parallel_loop3A_103  : i32 {
      %parallel_loop3A_153 = arith.index_cast %parallel_loop3A_152 : i32 to index
      %parallel_loop3A_154 = tpu.vector_load %arg5[%parallel_loop3A_153] {strides = array<i32>} : memref<16384xi32, #tpu.memory_space<vmem>>, vector<16xi32>,
      %parallel_loop3A_155 = tpu.vector_load_idx %arg6[%parallel_loop3A_154] : memref<100000xf32, #tpu.memory_space<vmem>>[vector<16xi32>], vector<16xf32>,
      %parallel_loop3A_156 = arith.constant 4096 : i32
      %parallel_loop3A_157 = arith.subi %parallel_loop3A_152, %parallel_loop3A_156 : i32
      %parallel_loop3A_158 = arith.index_cast %parallel_loop3A_157 : i32 to index
      %parallel_loop3A_159 = tpu.vector_load %arg8[%parallel_loop3A_158] {strides = array<i32>} : memref<4096xf32, #tpu.memory_space<vmem>>, vector<16xf32>,
      tpu.vector_store %arg8[%parallel_loop3A_158], %parallel_loop3A_155 {strides = array<i32>} : memref<4096xf32, #tpu.memory_space<vmem>>, vector<16xf32>,
    } {sc.loop_unroll_factor = 4 : i64, sc.parallel_access}
    %dma_start3A_104 = arith.constant 4096 : i32
    %dma_start3A_105 = tpu.memref_slice %arg4[%add3A_73, %dma_start3A_104] : memref<64x16384xf32, #tpu.memory_space<hbm>> -> memref<1x4096xf32, #tpu.memory_space<hbm>>
    %dma_start3A_106 = tpu.memref_squeeze %dma_start3A_105 : memref<1x4096xf32, #tpu.memory_space<hbm>> -> memref<4096xf32, #tpu.memory_space<hbm>>
    %dma_start3A_107 = arith.constant 4096 : i32
    %dma_start3A_108 = tpu.memref_slice %arg4[%add3A_73, %dma_start3A_107] : memref<64x16384xf32, #tpu.memory_space<hbm>> -> memref<1x4096xf32, #tpu.memory_space<hbm>>
    %dma_start3A_109 = tpu.memref_squeeze %dma_start3A_108 : memref<1x4096xf32, #tpu.memory_space<hbm>> -> memref<4096xf32, #tpu.memory_space<hbm>>
    tpu.enqueue_dma source(%arg8 : memref<4096xf32, #tpu.memory_space<vmem>>) target(%dma_start3A_109 : memref<4096xf32, #tpu.memory_space<hbm>>) target_semaphore(%arg13 : memref<!tpu.dma_semaphore, #tpu.memory_space<semaphore_mem>>)
    %dma_wait3A_110 = arith.constant 0 : i32
    %dma_wait3A_111 = tpu.memref_slice %arg4[%add3A_73, %dma_wait3A_110] : memref<64x16384xf32, #tpu.memory_space<hbm>> -> memref<1x4096xf32, #tpu.memory_space<hbm>>
    %dma_wait3A_112 = tpu.memref_squeeze %dma_wait3A_111 : memref<1x4096xf32, #tpu.memory_space<hbm>> -> memref<4096xf32, #tpu.memory_space<hbm>>
    %dma_wait3A_113 = arith.constant 0 : i32
    %dma_wait3A_114 = tpu.memref_slice %arg4[%add3A_73, %dma_wait3A_113] : memref<64x16384xf32, #tpu.memory_space<hbm>> -> memref<1x4096xf32, #tpu.memory_space<hbm>>
    %dma_wait3A_115 = tpu.memref_squeeze %dma_wait3A_114 : memref<1x4096xf32, #tpu.memory_space<hbm>> -> memref<4096xf32, #tpu.memory_space<hbm>>
    tpu.wait_dma2 semaphore(%arg12 : memref<!tpu.dma_semaphore, #tpu.memory_space<semaphore_mem>>) src(%arg7 : memref<4096xf32, #tpu.memory_space<vmem>>) dst(%dma_wait3A_115 : memref<4096xf32, #tpu.memory_space<hbm>>)
    %parallel_loop3A_116 = arith.constant 8192 : i32
    %parallel_loop3A_117 = arith.constant 12288 : i32
    %parallel_loop3A_118 = arith.constant 16 : i32
    scf.for %parallel_loop3A_152 = %parallel_loop3A_116 to %parallel_loop3A_117 step %parallel_loop3A_118  : i32 {
      %parallel_loop3A_153 = arith.index_cast %parallel_loop3A_152 : i32 to index
      %parallel_loop3A_154 = tpu.vector_load %arg5[%parallel_loop3A_153] {strides = array<i32>} : memref<16384xi32, #tpu.memory_space<vmem>>, vector<16xi32>,
      %parallel_loop3A_155 = tpu.vector_load_idx %arg6[%parallel_loop3A_154] : memref<100000xf32, #tpu.memory_space<vmem>>[vector<16xi32>], vector<16xf32>,
      %parallel_loop3A_156 = arith.constant 8192 : i32
      %parallel_loop3A_157 = arith.subi %parallel_loop3A_152, %parallel_loop3A_156 : i32
      %parallel_loop3A_158 = arith.index_cast %parallel_loop3A_157 : i32 to index
      %parallel_loop3A_159 = tpu.vector_load %arg7[%parallel_loop3A_158] {strides = array<i32>} : memref<4096xf32, #tpu.memory_space<vmem>>, vector<16xf32>,
      tpu.vector_store %arg7[%parallel_loop3A_158], %parallel_loop3A_155 {strides = array<i32>} : memref<4096xf32, #tpu.memory_space<vmem>>, vector<16xf32>,
    } {sc.loop_unroll_factor = 4 : i64, sc.parallel_access}
    %dma_start3A_119 = arith.constant 8192 : i32
    %dma_start3A_120 = tpu.memref_slice %arg4[%add3A_73, %dma_start3A_119] : memref<64x16384xf32, #tpu.memory_space<hbm>> -> memref<1x4096xf32, #tpu.memory_space<hbm>>
    %dma_start3A_121 = tpu.memref_squeeze %dma_start3A_120 : memref<1x4096xf32, #tpu.memory_space<hbm>> -> memref<4096xf32, #tpu.memory_space<hbm>>
    %dma_start3A_122 = arith.constant 8192 : i32
    %dma_start3A_123 = tpu.memref_slice %arg4[%add3A_73, %dma_start3A_122] : memref<64x16384xf32, #tpu.memory_space<hbm>> -> memref<1x4096xf32, #tpu.memory_space<hbm>>
    %dma_start3A_124 = tpu.memref_squeeze %dma_start3A_123 : memref<1x4096xf32, #tpu.memory_space<hbm>> -> memref<4096xf32, #tpu.memory_space<hbm>>
    tpu.enqueue_dma source(%arg7 : memref<4096xf32, #tpu.memory_space<vmem>>) target(%dma_start3A_124 : memref<4096xf32, #tpu.memory_space<hbm>>) target_semaphore(%arg12 : memref<!tpu.dma_semaphore, #tpu.memory_space<semaphore_mem>>)
    %dma_wait3A_125 = arith.constant 4096 : i32
    %dma_wait3A_126 = tpu.memref_slice %arg4[%add3A_73, %dma_wait3A_125] : memref<64x16384xf32, #tpu.memory_space<hbm>> -> memref<1x4096xf32, #tpu.memory_space<hbm>>
    %dma_wait3A_127 = tpu.memref_squeeze %dma_wait3A_126 : memref<1x4096xf32, #tpu.memory_space<hbm>> -> memref<4096xf32, #tpu.memory_space<hbm>>
    %dma_wait3A_128 = arith.constant 4096 : i32
    %dma_wait3A_129 = tpu.memref_slice %arg4[%add3A_73, %dma_wait3A_128] : memref<64x16384xf32, #tpu.memory_space<hbm>> -> memref<1x4096xf32, #tpu.memory_space<hbm>>
    %dma_wait3A_130 = tpu.memref_squeeze %dma_wait3A_129 : memref<1x4096xf32, #tpu.memory_space<hbm>> -> memref<4096xf32, #tpu.memory_space<hbm>>
    tpu.wait_dma2 semaphore(%arg13 : memref<!tpu.dma_semaphore, #tpu.memory_space<semaphore_mem>>) src(%arg8 : memref<4096xf32, #tpu.memory_space<vmem>>) dst(%dma_wait3A_130 : memref<4096xf32, #tpu.memory_space<hbm>>)
    %parallel_loop3A_131 = arith.constant 12288 : i32
    %parallel_loop3A_132 = arith.constant 16384 : i32
    %parallel_loop3A_133 = arith.constant 16 : i32
    scf.for %parallel_loop3A_152 = %parallel_loop3A_131 to %parallel_loop3A_132 step %parallel_loop3A_133  : i32 {
      %parallel_loop3A_153 = arith.index_cast %parallel_loop3A_152 : i32 to index
      %parallel_loop3A_154 = tpu.vector_load %arg5[%parallel_loop3A_153] {strides = array<i32>} : memref<16384xi32, #tpu.memory_space<vmem>>, vector<16xi32>,
      %parallel_loop3A_155 = tpu.vector_load_idx %arg6[%parallel_loop3A_154] : memref<100000xf32, #tpu.memory_space<vmem>>[vector<16xi32>], vector<16xf32>,
      %parallel_loop3A_156 = arith.constant 12288 : i32
      %parallel_loop3A_157 = arith.subi %parallel_loop3A_152, %parallel_loop3A_156 : i32
      %parallel_loop3A_158 = arith.index_cast %parallel_loop3A_157 : i32 to index
      %parallel_loop3A_159 = tpu.vector_load %arg8[%parallel_loop3A_158] {strides = array<i32>} : memref<4096xf32, #tpu.memory_space<vmem>>, vector<16xf32>,
      tpu.vector_store %arg8[%parallel_loop3A_158], %parallel_loop3A_155 {strides = array<i32>} : memref<4096xf32, #tpu.memory_space<vmem>>, vector<16xf32>,
    } {sc.loop_unroll_factor = 4 : i64, sc.parallel_access}
    %dma_start3A_134 = arith.constant 12288 : i32
    %dma_start3A_135 = tpu.memref_slice %arg4[%add3A_73, %dma_start3A_134] : memref<64x16384xf32, #tpu.memory_space<hbm>> -> memref<1x4096xf32, #tpu.memory_space<hbm>>
    %dma_start3A_136 = tpu.memref_squeeze %dma_start3A_135 : memref<1x4096xf32, #tpu.memory_space<hbm>> -> memref<4096xf32, #tpu.memory_space<hbm>>
    %dma_start3A_137 = arith.constant 12288 : i32
    %dma_start3A_138 = tpu.memref_slice %arg4[%add3A_73, %dma_start3A_137] : memref<64x16384xf32, #tpu.memory_space<hbm>> -> memref<1x4096xf32, #tpu.memory_space<hbm>>
    %dma_start3A_139 = tpu.memref_squeeze %dma_start3A_138 : memref<1x4096xf32, #tpu.memory_space<hbm>> -> memref<4096xf32, #tpu.memory_space<hbm>>
    tpu.enqueue_dma source(%arg8 : memref<4096xf32, #tpu.memory_space<vmem>>) target(%dma_start3A_139 : memref<4096xf32, #tpu.memory_space<hbm>>) target_semaphore(%arg13 : memref<!tpu.dma_semaphore, #tpu.memory_space<semaphore_mem>>)
    %dma_wait3A_140 = arith.constant 8192 : i32
    %dma_wait3A_141 = tpu.memref_slice %arg4[%add3A_73, %dma_wait3A_140] : memref<64x16384xf32, #tpu.memory_space<hbm>> -> memref<1x4096xf32, #tpu.memory_space<hbm>>
    %dma_wait3A_142 = tpu.memref_squeeze %dma_wait3A_141 : memref<1x4096xf32, #tpu.memory_space<hbm>> -> memref<4096xf32, #tpu.memory_space<hbm>>
    %dma_wait3A_143 = arith.constant 8192 : i32
    %dma_wait3A_144 = tpu.memref_slice %arg4[%add3A_73, %dma_wait3A_143] : memref<64x16384xf32, #tpu.memory_space<hbm>> -> memref<1x4096xf32, #tpu.memory_space<hbm>>
    %dma_wait3A_145 = tpu.memref_squeeze %dma_wait3A_144 : memref<1x4096xf32, #tpu.memory_space<hbm>> -> memref<4096xf32, #tpu.memory_space<hbm>>
    tpu.wait_dma2 semaphore(%arg12 : memref<!tpu.dma_semaphore, #tpu.memory_space<semaphore_mem>>) src(%arg7 : memref<4096xf32, #tpu.memory_space<vmem>>) dst(%dma_wait3A_145 : memref<4096xf32, #tpu.memory_space<hbm>>)
    %dma_wait3A_146 = arith.constant 12288 : i32
    %dma_wait3A_147 = tpu.memref_slice %arg4[%add3A_73, %dma_wait3A_146] : memref<64x16384xf32, #tpu.memory_space<hbm>> -> memref<1x4096xf32, #tpu.memory_space<hbm>>
    %dma_wait3A_148 = tpu.memref_squeeze %dma_wait3A_147 : memref<1x4096xf32, #tpu.memory_space<hbm>> -> memref<4096xf32, #tpu.memory_space<hbm>>
    %dma_wait3A_149 = arith.constant 12288 : i32
    %dma_wait3A_150 = tpu.memref_slice %arg4[%add3A_73, %dma_wait3A_149] : memref<64x16384xf32, #tpu.memory_space<hbm>> -> memref<1x4096xf32, #tpu.memory_space<hbm>>
    %dma_wait3A_151 = tpu.memref_squeeze %dma_wait3A_150 : memref<1x4096xf32, #tpu.memory_space<hbm>> -> memref<4096xf32, #tpu.memory_space<hbm>>
    tpu.wait_dma2 semaphore(%arg13 : memref<!tpu.dma_semaphore, #tpu.memory_space<semaphore_mem>>) src(%arg8 : memref<4096xf32, #tpu.memory_space<vmem>>) dst(%dma_wait3A_151 : memref<4096xf32, #tpu.memory_space<hbm>>)
    return
  }
}

</mosaic_0001>

<sc_bundles>
// kernel: kernel.3.cloned.1.call-start
scs
__scs_entry_jumppad:
0x0: {  	(pc) =	sbr.rel $0x88, $3  }
0x1: {  	(tag) =	ssettag $0x0;
	lr =	simm.s32 $0x1  }
0x2: {  	[smem:$0x3F9F] =	sst lr;
	_ =	strace $0xD0000000  }
0x3: {  	_ = 	snop  }
0x4: {  	_ = 	snop  }
0x5: {  	_ = 	snop  }
0x6: {  	_ = 	snop  }
0x7: {  	_ = 	snop  }
__scs_overlays_trampoline_lowered:
0x8: {  	[smem:$0x3FAE] =	sst s0  }
0x9: {  	[smem:$0x3FAF] =	sst s1  }
0xa: {  	[smem:$0x3FB0] =	sst s2  }
0xb: {  	[smem:$0x3FB1] =	sst s3  }
0xc: {  	[smem:$0x3FB2] =	sst s4  }
0xd: {  	[smem:$0x3FB3] =	sst s5  }
0xe: {  	[smem:$0x3FB4] =	sst s6  }
0xf: {  	[smem:$0x3FB5] =	sst s7  }
0x10: {  	[smem:$0x3FB6] =	sst s8  }
0x11: {  	[smem:$0x3FB7] =	sst s9;
	s0 =	simm.s32 @!p0 $0x0  }
0x12: {  	s1 =	sld [smem:$0x3F9D];
	s0 =	simm.s32 @p0 $0x1  }
0x13: {  	[smem:$0x3FB8] =	sst s0;
	s0 =	simm.s32 @!p1 $0x0  }
0x14: {  	s2 =	sld [smem:$0x3F9C];
	s0 =	simm.s32 @p1 $0x1  }
0x15: {  	[smem:$0x3FB9] =	sst s0;
	s0 =	simm.s32 @!p2 $0x0  }
0x16: {  	s3 =	sld [smem:$0x3FDB];
	s0 =	simm.s32 @p2 $0x1  }
0x17: {  	s4 =	simm.s32 $0x1BF5;
	[smem:$0x3FBB] =	sst s0  }
0x18: {  	s0 =	sld [smem:$0x3F9E];
	_ =	swait.ge [sflag:s4], $0x0  }
0x19: {  	s7 =	sld [smem:$0x3F9F]  }
0x1a: {  	s8 =	sadd.s32 $0xFFFFE003, lr  }
0x1b: {  	s9 =	sadd.s32 $0xFFFFFEF7, lr;
	s5 =	simm.s32 $0xFFFFFFFF;
	p2 =	slt.u32 s8, $0xFFFFF086  }
0x1c: {  	p1 =	slt.u32 s9, $0xF7A;
	s5 =	simm.s32 @!p2 $0x0  }
0x1d: {  	s5 =	simm.s32 @p1 $0x1;
	p0 =	seq.s32 s7, s2  }
0x1e: {  	s7 =	smul.u32 @!p0 $0xF7A, s2;
	p2 =	seq.s32 @!p0 s5, $0x0  }
0x1f: {  	s9 =	smul.u32 $0xF7A, s1;
	s8 =	simm.s32 @!p0 $0x1BF5;
	p2 =	por !p2, p0  }
0x20: {  	[sflag:s8] =	ssyncset.s32 @!p0 $0xFFFFF086;
	s6 =	sadd.s32 @!p0 s3, s7;
	s7 =	simm.s32 @!p0 $0x108  }
0x21: {  	s3 =	sadd.s32 s3, s9;
	s6 =	sadd.s32 @!p0 $0x88, s6;
	s7 =	simm.s32 @p2 $0x1082  }
0x22: {  	[simem:s7], [sflag:s8] =	dma.local @!p0 [hbm:s6], $0xF7A  }
0x23: {  	s9 =	sor.u32 $0xD0000000, s2;
	s6 =	simm.s32 $0x108;
	_ =	swait.ge @!p0 [sflag:s8], $0x0  }
0x24: {  	s3 =	sadd.s32 $0x88, s3;
	s6 =	simm.s32 @!p1 $0x1082;
	[sflag:s4] =	ssyncset.s32 $0xFFFFF086  }
0x25: {  	[simem:s6], [sflag:s4] =	dma.local [hbm:s3], $0xF7A  }
0x26: {  	[smem:$0x3F9F] =	sst s1;
	(tag) =	ssettag s2;
	_ =	strace s9  }
0x27: {  	s1 =	sld [smem:$0x3FAF]  }
0x28: {  	s2 =	sld [smem:$0x3FB0]  }
0x29: {  	s4 =	sld [smem:$0x3FB2]  }
0x2a: {  	p0 =	seq.s32 s5, $0x0;
	s5 =	sld [smem:$0x3FB3]  }
0x2b: {  	s6 =	sld [smem:$0x3FB4]  }
0x2c: {  	s7 =	sld [smem:$0x3FB5]  }
0x2d: {  	s3 =	simm.s32 $0x108;
	s8 =	sld [smem:$0x3FB6]  }
0x2e: {  	s3 =	simm.s32 @!p0 $0x1082;
	s9 =	sld [smem:$0x3FB7]  }
0x2f: {  	lr =	sadd.s32 s0, s3;
	s0 =	sld [smem:$0x3FAE]  }
0x30: {  	s3 =	sld [smem:$0x3FB1]  }
0x31: {  	[smem:$0x3FBA] =	sst s10  }
0x32: {  	s10 =	sld [smem:$0x3FB8];
	_ =	sdelay $0x3  }
0x33: {  	p0 =	seq.s32 s10, $0x1;
	s10 =	sld [smem:$0x3FBA];
	_ =	sdelay $0x3  }
0x34: {  	[smem:$0x3FBA] =	sst s10  }
0x35: {  	s10 =	sld [smem:$0x3FB9];
	_ =	sdelay $0x3  }
0x36: {  	p1 =	seq.s32 s10, $0x1;
	s10 =	sld [smem:$0x3FBA];
	_ =	sdelay $0x3  }
0x37: {  	[smem:$0x3FBA] =	sst s10  }
0x38: {  	s10 =	sld [smem:$0x3FBB]  }
0x39: {  	_ = 	snop;
	(pc) =	sbr.ind lr, $3  }
0x3a: {  	_ = 	snop  }
0x3b: {  	_ = 	snop  }
0x3c: {  	p2 =	seq.s32 s10, $0x1;
	s10 =	sld [smem:$0x3FBA]  }
0x3d: {  	_ =	shalt  }
0x3e: {  	_ =	shalt  }
0x3f: {  	_ =	shalt  }
0x40: {  	_ =	shalt  }
0x41: {  	_ =	shalt  }
0x42: {  	_ =	shalt  }
0x43: {  	_ =	shalt  }
0x44: {  	_ =	shalt  }
0x45: {  	_ =	shalt  }
0x46: {  	_ =	shalt  }
0x47: {  	_ =	shalt  }
0x48: {  	_ =	shalt  }
0x49: {  	_ =	shalt  }
0x4a: {  	_ =	shalt  }
0x4b: {  	_ =	shalt  }
0x4c: {  	_ =	shalt  }
0x4d: {  	_ =	shalt  }
0x4e: {  	_ =	shalt  }
0x4f: {  	_ =	shalt  }
0x50: {  	_ =	shalt  }
0x51: {  	_ =	shalt  }
0x52: {  	_ =	shalt  }
0x53: {  	_ =	shalt  }
0x54: {  	_ =	shalt  }
0x55: {  	_ =	shalt  }
0x56: {  	_ =	shalt  }
0x57: {  	_ =	shalt  }
0x58: {  	_ =	shalt  }
0x59: {  	_ =	shalt  }
0x5a: {  	_ =	shalt  }
0x5b: {  	_ =	shalt  }
0x5c: {  	_ =	shalt  }
0x5d: {  	_ =	shalt  }
0x5e: {  	_ =	shalt  }
0x5f: {  	_ =	shalt  }
0x60: {  	_ =	shalt  }
0x61: {  	_ =	shalt  }
0x62: {  	_ =	shalt  }
0x63: {  	_ =	shalt  }
0x64: {  	_ =	shalt  }
0x65: {  	_ =	shalt  }
0x66: {  	_ =	shalt  }
0x67: {  	_ =	shalt  }
0x68: {  	_ =	shalt  }
0x69: {  	_ =	shalt  }
0x6a: {  	_ =	shalt  }
0x6b: {  	_ =	shalt  }
0x6c: {  	_ =	shalt  }
0x6d: {  	_ =	shalt  }
0x6e: {  	_ =	shalt  }
0x6f: {  	_ =	shalt  }
0x70: {  	_ =	shalt  }
0x71: {  	_ =	shalt  }
0x72: {  	_ =	shalt  }
0x73: {  	_ =	shalt  }
0x74: {  	_ =	shalt  }
0x75: {  	_ =	shalt  }
0x76: {  	_ =	shalt  }
0x77: {  	_ =	shalt  }
0x78: {  	_ =	shalt  }
0x79: {  	_ =	shalt  }
0x7a: {  	_ =	shalt  }
0x7b: {  	_ =	shalt  }
0x7c: {  	_ =	shalt  }
0x7d: {  	_ =	shalt  }
0x7e: {  	_ =	shalt  }
0x7f: {  	_ =	shalt  }
0x80: {  	_ =	shalt  }
0x81: {  	_ =	shalt  }
0x82: {  	_ =	shalt  }
0x83: {  	_ =	shalt  }
0x84: {  	_ =	shalt  }
0x85: {  	_ =	shalt  }
0x86: {  	_ =	shalt  }
0x87: {  	_ =	shalt  }
.Lfunc_end0:
.L_simem_size_0:
called_computation_lowered:
.L_overlay_start_0:
0x88: {  	s2 =	sld [smem:$0x3FD9]  }
0x89: {  	s3 =	sld [smem:$0x3FFE];
	_ =	sdelay $0x1  }
0x8a: {  	s1 =	srdreg.scid  }
0x8b: {  	s0 =	sand.u32 $0x1, s1  }
0x8c: {  	s17 =	sshll.u32 s0, $0xA;
	s2 =	sadd.s32 s3, s2  }
0x8d: {  	s2 =	sadd.s32 s2, s17  }
0x8e: {  	[smem:$0x3FC6] =	sst s2  }
0x8f: {  	_ = 	snop  }
0x90: {  	s2 =	sld [smem:$0x3FC8]  }
0x91: {  	s18 =	sld [smem:$0x3FD0];
	(tm) =	ssettm $0x1  }
0x92: {  	s4 =	sld [smem:$0x3FFB];
	_ =	sdelay $0x3  }
0x93: {  	_ =	strace s4  }
0x94: {  	s4 =	sld [smem:$0x3FFC];
	_ =	sdelay $0x3  }
0x95: {  	_ =	strace s4  }
0x96: {  	s4 =	sld [smem:$0x3FFD];
	_ =	sdelay $0x3  }
0x97: {  	_ =	strace s4  }
0x98: {  	_ =	strace $0x8FFFFFFF  }
0x99: {  	s19 =	sld [smem:$0x3FDB];
	_ =	sdelay $0x1  }
0x9a: {  	s5 =	simm.s32 $_scs_section_size  }
0x9b: {  	s6 =	simm.s32 $_size__tile_overlayer_lowered;
	s7 =	simm.s32 $_tile_overlayer_lowered  }
0x9c: {  	s22 =	simm.s32 $0x1BFF;
	s21 =	sshll.u32 s7, $0x1;
	s4 =	sadd.s32 s5, s19  }
0x9d: {  	s8 =	simm.s32 $0x0;
	s20 =	sshll.u32 s6, $0x1;
	s6 =	sadd.s32 s21, s4  }
0x9e: {  	[timem:s8], [sflag:s22] =	dma.local [hbm:s6], s20  }
0x9f: {  	_ =	swait.ge [sflag:s22], s20  }
0xa0: {  	s5 =	ssub.s32 $0x0, s20;
	[sflag:s22] =	ssyncset.done $0x0  }
0xa1: {  	[sflag:s22] =	ssyncadd.s32 s5;
	_ =	sdelay $0x1  }
0xa2: {  	s23 =	simm.s32 $0x1B8B  }
0xa3: {  	_ =	swait.ge [sflag:s23], $0x1  }
0xa4: {  	[sflag:s23] =	ssyncset.done $0x0  }
0xa5: {  	s25 =	simm.s32 $0x1B8E;
	s24 =	sld [smem:$0x3FFE];
	[sflag:s23] =	ssyncadd.s32 $0xFFFFFFFF  }
0xa6: {  	s26 =	simm.s32 $execute0_lowered;
	[smem:$0x3FD2] =	sst s25  }
0xa7: {  	s6 =	sshll.u32 s26, $0x1;
	_ =	strace $0x80000046;
	[dreg:$0x1] =	wrdreg $0xFFFFFFFF  }
0xa8: {  	s28 =	simm.s32 $_size_execute0_lowered;
	s4 =	sadd.s32 s4, s6;
	[dreg:$0x0] =	wrdreg $0x0  }
0xa9: {  	s6 =	sshll.u32 s28, $0x1;
	[dreg:$0x2] =	wrdreg s4  }
0xaa: {  	[dreg:$0x3] =	wrdreg s6  }
0xab: {  	[dreg:$0x4] =	wrdreg $0xC0  }
0xac: {  	_ =	task [dreg:s8], $0x5FFFF  }
0xad: {  	[dreg:$0x1] =	wrdreg $0xFFFFFFFF  }
0xae: {  	[dreg:$0x0] =	wrdreg $0x60  }
0xaf: {  	[dreg:$0x2] =	wrdreg s24  }
0xb0: {  	[dreg:$0x3] =	wrdreg s2  }
0xb1: {  	[dreg:$0x4] =	wrdreg s18  }
0xb2: {  	[dreg:$0x5] =	wrdreg $0x1E7000  }
0xb3: {  	[dreg:$0x6] =	wrdreg $0x9  }
0xb4: {  	_ =	task.clear_ibuf [dreg:s8], $0x7FFFF;
	_ =	strace $0x90000046  }
0xb5: {  	s29 =	simm.s32 $0x9;
	_ =	strace $0x80000048  }
0xb6: {  	_ =	swait.ge [sflag:s29], $0x1  }
0xb7: {  	[sflag:s29] =	ssyncadd.s32 $0xFFFFFFFF  }
0xb8: {  	_ =	strace $0x90000048  }
0xb9: {  	_ =	sfence  }
0xba: {  	s30 =	sld [smem:$0x0];
	_ =	sdelay $0x2  }
0xbb: {  	s31 =	sshll.u32 s1, $0xD;
	s1 =	sshrl.u32 s1, $0x2  }
0xbc: {  	s3 =	sand.u32 $0x4000, s31;
	s1 =	sadd.s32 s1, s30  }
0xbd: {  	s0 =	sor.u32 s3, s0;
	s1 =	sshll.u32 s1, $0x11  }
0xbe: {  	s0 =	sor.u32 s1, s0  }
0xbf: {  	s0 =	sadd.s32 $0x8F2B, s0  }
0xc0: {  	[sflag:s0] =	ssyncadd.remote.s32 $0x1  }
0xc1: {  	_ =	sfence.sel $0xFFFF  }
0xc2: {  	[dreg:$0x0] =	wrdreg $0xFFFFFFFF;
	(pc) =	sbr.abs _section_cstart, $3  }
0xc3: {  	[dreg:$0x1] =	wrdreg $0xFFFFFFFF  }
0xc4: {  	_ =	task.clear_ibuf [dreg:s8], $0x2FFFF;
	_ =	strace $0x9FFFFFFF  }
0xc5: {  	(tm) =	ssettm $0x7FFFFFFF  }
tec
execute0_lowered:
.L_overlay_start_1:
0x0: {  	(tag) =	ssettag $0x1  }
0x1: {  	s3 =	rddreg [dreg:$0x0]  }
0x2: {  	s8 =	rddreg [dreg:$0x1]  }
0x3: {  	s10 =	rddreg [dreg:$0x2]  }
0x4: {  	s1 =	rddreg [dreg:$0x3]  }
0x5: {  	s2 =	simm.s32 $0x0;
	s4 =	srdreg.scid;
	s15 =	stileid.u32  }
0x6: {  	s19 =	simm.s32 $0x2;
	s20 =	simm.s32 $0x1C700;
	s21 =	simm.s32 $0x1D700  }
0x7: {  	s22 =	simm.s32 $0x3;
	s23 =	simm.s32 $0x4;
	s24 =	simm.s32 $0x0  }
0x8: {  	[smem:$0x7FF] =	sst s2;
	s3 =	sadd.s32 $0x400, s3;
	s4 =	sand.u32 $0x1, s4  }
0x9: {  	s5 =	sshll.u32 s15, $0x9;
	s6 =	sshrl.u32 s15, $0x1;
	s13 =	sadd.s32 $0x1000, s10  }
0xa: {  	s16 =	sadd.s32 $0x2000, s10;
	s31 =	sadd.s32 $0x3000, s10;
	p0 =	sne.s32 s15, $0x0  }
0xb: {  	s15 =	simm.s32 $0x80;
	_ =	strace $0x80000047;
	s7 =	sshll.u32 s4, $0x8  }
0xc: {  	s5 =	sand.u32 $0x200, s5;
	s9 =	smul.u32 $0xC3800, s6;
	s4 =	ssub.s32 $0x2, s4  }
0xd: {  	s11 =	sshll.u32 s6, $0x11;
	s7 =	sor.u32 s7, s5;
	s28 =	sshrl.u32 s4, $0x1  }
0xe: {  	s29 =	sor.u32 s9, s7;
	s12 =	sor.u32 s11, s7;
	s14 =	ssub.s32 s4, s28  }
0xf: {  	s17 =	sor.u32 $0x80, s7;
	s30 =	sshrl.u32 s29, $0x3;
	s12 =	sshrl.u32 s12, $0x3  }
0x10: {  	s9 =	sor.u32 s9, s17;
	s11 =	sor.u32 s11, s17;
	s14 =	smax.u32 s14, $0x1  }
0x11: {  	s17 =	simm.s32 $0x4000;
	s4 =	sadd.s32 s8, s30;
	s5 =	sadd.s32 s10, s12  }
0x12: {  	s6 =	sadd.s32 s12, s13;
	s7 =	sadd.s32 s12, s16;
	s9 =	sshrl.u32 s9, $0x3  }
0x13: {  	s18 =	sshrl.u32 s11, $0x3;
	s8 =	sadd.s32 s8, s9;
	s9 =	sadd.s32 s12, s31  }
0x14: {  	s10 =	sadd.s32 s10, s18;
	s11 =	sadd.s32 s18, s13;
	s12 =	sadd.s32 s18, s16  }
0x15: {  	s13 =	sadd.s32 s18, s31;
	s16 =	simm.s32 $0x400;
	s18 =	simm.s32 $0x1  }
.LBB2_1:
0x16: {  	[tilespmem:s17], [sflag:$0x2] =	stream.strided.gather [hbm4b:s4+s15], $0x18700, s16, s15, $0x38;
	[tilespmem:$0x1EB00] =	vst v63  }
0x17: {  	s25 =	sshrl.u32 @!p0 s1, $0x3;
	s26 =	simm.s32 @!p0 $0x1C05  }
0x18: {  	[spmem:s25], [sflag:s26] =	dma.local @!p0 [hbm:s3], $0x800  }
0x19: {  	s25 =	simm.s32 @!p0 $0x5  }
0x1a: {  	_ =	swait.ge @!p0 [sflag:s25], $0x800  }
0x1b: {  	[sflag:s25] =	ssyncset.done @!p0 $0x0  }
0x1c: {  	[sflag:s25] =	ssyncadd.s32 @!p0 $0xFFFFF800  }
0x1d: {  	[bflag:$0x0] =	sbarrier.arrive $0xFFFF  }
0x1e: {  	[tilespmem:s2], [sflag:$0x1] =	stream.linear.gather [spmem:s1], $0x4000, $0x38;
	[tilespmem:$0x1EB00] =	vst v63  }
0x1f: {  	_ =	swait.ge [sflag:s18], $0x4000  }
0x20: {  	[sflag:s18] =	ssyncset.done $0x0  }
0x21: {  	[sflag:s18] =	ssyncadd.s32 $0xFFFFC000  }
0x22: {  	_ =	swait.ge [sflag:s19], $0x18700  }
0x23: {  	[sflag:s19] =	ssyncset.done $0x0  }
0x24: {  	s30 =	simm.s32 $0x20;
	[sflag:s19] =	ssyncadd.s32 $0xFFFE7900  }
0x25: {  	v0 =	vld [tilespmem:s30+$0x10];
	_ =	sdelay $0x1  }
0x26: {  	v2 =	vld [tilespmem:s30+$0xFFFFFFE0]  }
0x27: {  	v3 =	vld [tilespmem:s30+$0xFFFFFFF0]  }
0x28: {  	s31 =	simm.s32 $0x60;
	v4 =	vld [tilespmem:s30+$0x0]  }
0x29: {  	v7 =	vld [tilespmem:s31+$0x10]  }
0x2a: {  	v1 =	vld [tilespmem:s31+$0xFFFFFFF0]  }
0x2b: {  	v6 =	vld [tilespmem:s31+$0xFFFFFFE0]  }
0x2c: {  	v8 =	vld.idx.msk [tilespmem:v0+s17+$0x0], $0xffff  }
0x2d: {  	v0 =	vld [tilespmem:s31+$0x0]  }
0x2e: {  	v5 =	vld.idx.msk [tilespmem:v2+s17+$0x0], $0xffff  }
0x2f: {  	v2 =	vld.idx.msk [tilespmem:v3+s17+$0x0], $0xffff  }
0x30: {  	s25 =	simm.s32 $0x1C720;
	v3 =	vld.idx.msk [tilespmem:v4+s17+$0x0], $0xffff  }
0x31: {  	s28 =	simm.s32 $0xA0;
	s26 =	simm.s32 $0x40;
	v4 =	vld.idx.msk [tilespmem:v7+s17+$0x0], $0xffff;
	[tilespmem:s25+$0x10] =	vst v8  }
.LBB2_2:
0x32: {  	v7 =	vld [tilespmem:s28+$0x10];
	s26 =	sadd.s32 $0x40, s26  }
0x33: {  	v8 =	vld [tilespmem:s28+$0xFFFFFFF0];
	p1 =	slt.u32 s26, $0xFC0;
	[tilespmem:s25+$0xFFFFFFE0] =	vst v5  }
0x34: {  	v9 =	vld [tilespmem:s28+$0x0];
	[tilespmem:s25+$0xFFFFFFF0] =	vst v2  }
0x35: {  	v10 =	vld [tilespmem:s28+$0xFFFFFFE0];
	[tilespmem:s25+$0x0] =	vst v3  }
.Ltmp0:
0x36: {  	s25 =	sadd.s32 $0x40, s25;
	v5 =	vld.idx.msk [tilespmem:v6+s17+$0x0], $0xffff;
	(pc) =	sbr.rel @p1 .LBB2_2-.Ltmp0, $4  }
0x37: {  	v2 =	vld.idx.msk [tilespmem:v1+s17+$0x0], $0xffff;
	[tilespmem:s25+$0x10] =	vst v4  }
0x38: {  	v3 =	vld.idx.msk [tilespmem:v0+s17+$0x0], $0xffff;
	v1 =	vmov v8  }
0x39: {  	v0 =	vmov v9  }
0x3a: {  	s28 =	sadd.s32 $0x40, s28;
	v4 =	vld.idx.msk [tilespmem:v7+s17+$0x0], $0xffff;
	v6 =	vmov v10  }
0x3b: {  	_ =	sdelay $0x3  }
0x3c: {  	v6 =	vld.idx.msk [tilespmem:v6+s17+$0x0], $0xffff  }
0x3d: {  	[tilespmem:s25+$0xFFFFFFE0] =	vst v5;
	v1 =	vld.idx.msk [tilespmem:v1+s17+$0x0], $0xffff  }
0x3e: {  	v0 =	vld.idx.msk [tilespmem:v0+s17+$0x0], $0xffff;
	[tilespmem:s25+$0xFFFFFFF0] =	vst v2  }
0x3f: {  	s26 =	sadd.s32 $0x40, s25;
	[tilespmem:s25+$0x0] =	vst v3  }
0x40: {  	[tilespmem:s26+$0x10] =	vst v4  }
0x41: {  	[tilespmem:s26+$0xFFFFFFE0] =	vst v6  }
0x42: {  	[tilespmem:s26+$0xFFFFFFF0] =	vst v1  }
0x43: {  	s0 =	simm.s32 $0x1030;
	[tilespmem:s26+$0x0] =	vst v0  }
0x44: {  	[hbm4b:s5+s15] =	stream.strided.scatter [tilespmem:s20], [sflag:$0x3], $0x1000, s16, s15, $0x38;
	[tilespmem:$0x1EB00] =	vst v63  }
0x45: {  	v0 =	vld [tilespmem:s0+$0x0]  }
0x46: {  	v3 =	vld [tilespmem:s0+$0xFFFFFFF0];
	_ =	sdelay $0x2  }
0x47: {  	v4 =	vld [tilespmem:s0+$0xFFFFFFE0]  }
0x48: {  	s26 =	simm.s32 $0x1070;
	v7 =	vld [tilespmem:s0+$0xFFFFFFD0]  }
0x49: {  	v1 =	vld [tilespmem:s26+$0x0]  }
0x4a: {  	v2 =	vld [tilespmem:s26+$0xFFFFFFE0]  }
0x4b: {  	v8 =	vld.idx.msk [tilespmem:v0+s17+$0x0], $0xffff  }
0x4c: {  	v6 =	vld.idx.msk [tilespmem:v3+s17+$0x0], $0xffff  }
0x4d: {  	v3 =	vld [tilespmem:s26+$0xFFFFFFF0]  }
0x4e: {  	v0 =	vld [tilespmem:s26+$0xFFFFFFD0]  }
0x4f: {  	s30 =	simm.s32 $0x1040;
	s31 =	simm.s32 $0x10B0;
	s25 =	simm.s32 $0x1D720;
	v5 =	vld.idx.msk [tilespmem:v4+s17+$0x0], $0xffff  }
0x50: {  	s29 =	simm.s32 $0x1D720;
	s28 =	simm.s32 $0x1040;
	s26 =	simm.s32 $0x1000;
	v4 =	vld.idx.msk [tilespmem:v7+s17+$0x0], $0xffff;
	[tilespmem:s25+$0x10] =	vst v8  }
.LBB2_4:
0x51: {  	s30 =	sadd.s32 $0x40, s30;
	v7 =	vld.idx.msk [tilespmem:v1+s17+$0x0], $0xffff;
	s25 =	sadd.s32 $0x40, s25  }
0x52: {  	v1 =	vld [tilespmem:s31+$0x0];
	p1 =	slt.u32 s30, $0x1FC0;
	[tilespmem:s29+$0x0] =	vst v6  }
0x53: {  	s0 =	sand.u32 $0x1FC0, s26;
	s26 =	smov.u32 s28;
	s28 =	smov.u32 s30;
	v8 =	vld [tilespmem:s31+$0xFFFFFFD0]  }
0x54: {  	v9 =	vld [tilespmem:s31+$0xFFFFFFE0];
	[tilespmem:s29+$0xFFFFFFF0] =	vst v5;
	s29 =	smov.u32 s25  }
.Ltmp1:
0x55: {  	v6 =	vld.idx.msk [tilespmem:v3+s17+$0x0], $0xffff;
	[tilespmem:s0+$0x1C700] =	vst v4;
	(pc) =	sbr.rel @p1 .LBB2_4-.Ltmp1, $4  }
0x56: {  	v3 =	vld [tilespmem:s31+$0xFFFFFFF0]  }
0x57: {  	v5 =	vld.idx.msk [tilespmem:v2+s17+$0x0], $0xffff;
	[tilespmem:s25+$0x10] =	vst v7  }
0x58: {  	v4 =	vld.idx.msk [tilespmem:v0+s17+$0x0], $0xffff;
	v0 =	vmov v8  }
0x59: {  	s31 =	sadd.s32 $0x40, s31;
	v2 =	vmov v9  }
0x5a: {  	_ =	sdelay $0x3  }
0x5b: {  	v1 =	vld.idx.msk [tilespmem:v1+s17+$0x0], $0xffff  }
0x5c: {  	v2 =	vld.idx.msk [tilespmem:v2+s17+$0x0], $0xffff  }
0x5d: {  	[tilespmem:s29+$0x0] =	vst v6;
	v0 =	vld.idx.msk [tilespmem:v0+s17+$0x0], $0xffff  }
0x5e: {  	s0 =	sand.u32 $0x1FC0, s26;
	v3 =	vld.idx.msk [tilespmem:v3+s17+$0x0], $0xffff;
	[tilespmem:s29+$0xFFFFFFF0] =	vst v5  }
0x5f: {  	s25 =	sadd.s32 $0x40, s25;
	[tilespmem:s0+$0x1C700] =	vst v4  }
0x60: {  	[tilespmem:s25+$0x10] =	vst v1  }
0x61: {  	s26 =	sand.u32 $0x1FC0, s28;
	[tilespmem:s25+$0xFFFFFFF0] =	vst v2  }
0x62: {  	[tilespmem:s26+$0x1C700] =	vst v0  }
0x63: {  	[tilespmem:s25+$0x0] =	vst v3  }
0x64: {  	[hbm4b:s6+s15] =	stream.strided.scatter [tilespmem:s21], [sflag:$0x4], $0x1000, s16, s15, $0x38;
	[tilespmem:$0x1EB00] =	vst v63  }
0x65: {  	_ =	swait.ge [sflag:s22], $0x1000  }
0x66: {  	[sflag:s22] =	ssyncset.done $0x0  }
0x67: {  	s25 =	simm.s32 $0x2030;
	[sflag:s22] =	ssyncadd.s32 $0xFFFFF000  }
0x68: {  	v0 =	vld [tilespmem:s25+$0x0]  }
0x69: {  	v3 =	vld [tilespmem:s25+$0xFFFFFFF0];
	_ =	sdelay $0x2  }
0x6a: {  	v4 =	vld [tilespmem:s25+$0xFFFFFFE0]  }
0x6b: {  	s26 =	simm.s32 $0x2070;
	v7 =	vld [tilespmem:s25+$0xFFFFFFD0]  }
0x6c: {  	v1 =	vld [tilespmem:s26+$0x0]  }
0x6d: {  	v2 =	vld [tilespmem:s26+$0xFFFFFFE0]  }
0x6e: {  	v8 =	vld.idx.msk [tilespmem:v0+s17+$0x0], $0xffff  }
0x6f: {  	v6 =	vld.idx.msk [tilespmem:v3+s17+$0x0], $0xffff  }
0x70: {  	v3 =	vld [tilespmem:s26+$0xFFFFFFF0]  }
0x71: {  	v0 =	vld [tilespmem:s26+$0xFFFFFFD0]  }
0x72: {  	s30 =	simm.s32 $0x2040;
	s31 =	simm.s32 $0x20B0;
	s25 =	simm.s32 $0x1C720;
	v5 =	vld.idx.msk [tilespmem:v4+s17+$0x0], $0xffff  }
0x73: {  	s28 =	simm.s32 $0x2040;
	s29 =	simm.s32 $0x1C720;
	s26 =	simm.s32 $0x2000;
	v4 =	vld.idx.msk [tilespmem:v7+s17+$0x0], $0xffff;
	[tilespmem:s25+$0x10] =	vst v8  }
.LBB2_6:
0x74: {  	s30 =	sadd.s32 $0x40, s30;
	v7 =	vld.idx.msk [tilespmem:v1+s17+$0x0], $0xffff;
	s25 =	sadd.s32 $0x40, s25  }
0x75: {  	v1 =	vld [tilespmem:s31+$0x0];
	p1 =	slt.u32 s30, $0x2FC0;
	[tilespmem:s29+$0x0] =	vst v6  }
0x76: {  	s0 =	sand.u32 $0x3FC0, s26;
	s26 =	smov.u32 s28;
	s28 =	smov.u32 s30;
	v8 =	vld [tilespmem:s31+$0xFFFFFFD0]  }
0x77: {  	v9 =	vld [tilespmem:s31+$0xFFFFFFE0];
	[tilespmem:s29+$0xFFFFFFF0] =	vst v5;
	s29 =	smov.u32 s25  }
.Ltmp2:
0x78: {  	v6 =	vld.idx.msk [tilespmem:v3+s17+$0x0], $0xffff;
	[tilespmem:s0+$0x1A700] =	vst v4;
	(pc) =	sbr.rel @p1 .LBB2_6-.Ltmp2, $4  }
0x79: {  	v3 =	vld [tilespmem:s31+$0xFFFFFFF0]  }
0x7a: {  	v5 =	vld.idx.msk [tilespmem:v2+s17+$0x0], $0xffff;
	[tilespmem:s25+$0x10] =	vst v7  }
0x7b: {  	v4 =	vld.idx.msk [tilespmem:v0+s17+$0x0], $0xffff;
	v0 =	vmov v8  }
0x7c: {  	s31 =	sadd.s32 $0x40, s31;
	v2 =	vmov v9  }
0x7d: {  	_ =	sdelay $0x3  }
0x7e: {  	v1 =	vld.idx.msk [tilespmem:v1+s17+$0x0], $0xffff  }
0x7f: {  	v2 =	vld.idx.msk [tilespmem:v2+s17+$0x0], $0xffff  }
0x80: {  	[tilespmem:s29+$0x0] =	vst v6;
	v0 =	vld.idx.msk [tilespmem:v0+s17+$0x0], $0xffff  }
0x81: {  	s0 =	sand.u32 $0x3FC0, s26;
	v3 =	vld.idx.msk [tilespmem:v3+s17+$0x0], $0xffff;
	[tilespmem:s29+$0xFFFFFFF0] =	vst v5  }
0x82: {  	s25 =	sadd.s32 $0x40, s25;
	[tilespmem:s0+$0x1A700] =	vst v4  }
0x83: {  	[tilespmem:s25+$0x10] =	vst v1  }
0x84: {  	s26 =	sand.u32 $0x3FC0, s28;
	[tilespmem:s25+$0xFFFFFFF0] =	vst v2  }
0x85: {  	[tilespmem:s26+$0x1A700] =	vst v0  }
0x86: {  	[tilespmem:s25+$0x0] =	vst v3  }
0x87: {  	[hbm4b:s7+s15] =	stream.strided.scatter [tilespmem:s20], [sflag:$0x3], $0x1000, s16, s15, $0x38;
	[tilespmem:$0x1EB00] =	vst v63  }
0x88: {  	_ =	swait.ge [sflag:s23], $0x1000  }
0x89: {  	[sflag:s23] =	ssyncset.done $0x0  }
0x8a: {  	s25 =	simm.s32 $0x3030;
	[sflag:s23] =	ssyncadd.s32 $0xFFFFF000  }
0x8b: {  	v0 =	vld [tilespmem:s25+$0x0]  }
0x8c: {  	v3 =	vld [tilespmem:s25+$0xFFFFFFF0];
	_ =	sdelay $0x2  }
0x8d: {  	v4 =	vld [tilespmem:s25+$0xFFFFFFE0]  }
0x8e: {  	s26 =	simm.s32 $0x3070;
	v7 =	vld [tilespmem:s25+$0xFFFFFFD0]  }
0x8f: {  	v1 =	vld [tilespmem:s26+$0x0]  }
0x90: {  	v2 =	vld [tilespmem:s26+$0xFFFFFFE0]  }
0x91: {  	v8 =	vld.idx.msk [tilespmem:v0+s17+$0x0], $0xffff  }
0x92: {  	v6 =	vld.idx.msk [tilespmem:v3+s17+$0x0], $0xffff  }
0x93: {  	v3 =	vld [tilespmem:s26+$0xFFFFFFF0]  }
0x94: {  	v0 =	vld [tilespmem:s26+$0xFFFFFFD0]  }
0x95: {  	s30 =	simm.s32 $0x3040;
	s31 =	simm.s32 $0x30B0;
	s25 =	simm.s32 $0x1D720;
	v5 =	vld.idx.msk [tilespmem:v4+s17+$0x0], $0xffff  }
0x96: {  	s28 =	simm.s32 $0x3040;
	s29 =	simm.s32 $0x1D720;
	s26 =	simm.s32 $0x3000;
	v4 =	vld.idx.msk [tilespmem:v7+s17+$0x0], $0xffff;
	[tilespmem:s25+$0x10] =	vst v8  }
.LBB2_8:
0x97: {  	s30 =	sadd.s32 $0x40, s30;
	v7 =	vld.idx.msk [tilespmem:v1+s17+$0x0], $0xffff;
	s25 =	sadd.s32 $0x40, s25  }
0x98: {  	v1 =	vld [tilespmem:s31+$0x0];
	p1 =	slt.u32 s30, $0x3FC0;
	[tilespmem:s29+$0x0] =	vst v6  }
0x99: {  	s0 =	sand.u32 $0x3FC0, s26;
	s26 =	smov.u32 s28;
	s28 =	smov.u32 s30;
	v8 =	vld [tilespmem:s31+$0xFFFFFFD0]  }
0x9a: {  	v9 =	vld [tilespmem:s31+$0xFFFFFFE0];
	[tilespmem:s29+$0xFFFFFFF0] =	vst v5;
	s29 =	smov.u32 s25  }
.Ltmp3:
0x9b: {  	v6 =	vld.idx.msk [tilespmem:v3+s17+$0x0], $0xffff;
	[tilespmem:s0+$0x1A700] =	vst v4;
	(pc) =	sbr.rel @p1 .LBB2_8-.Ltmp3, $4  }
0x9c: {  	v3 =	vld [tilespmem:s31+$0xFFFFFFF0]  }
0x9d: {  	v5 =	vld.idx.msk [tilespmem:v2+s17+$0x0], $0xffff;
	[tilespmem:s25+$0x10] =	vst v7  }
0x9e: {  	v4 =	vld.idx.msk [tilespmem:v0+s17+$0x0], $0xffff;
	v0 =	vmov v8  }
0x9f: {  	s31 =	sadd.s32 $0x40, s31;
	v2 =	vmov v9  }
0xa0: {  	_ =	sdelay $0x3  }
0xa1: {  	v1 =	vld.idx.msk [tilespmem:v1+s17+$0x0], $0xffff  }
0xa2: {  	v2 =	vld.idx.msk [tilespmem:v2+s17+$0x0], $0xffff  }
0xa3: {  	[tilespmem:s29+$0x0] =	vst v6;
	v0 =	vld.idx.msk [tilespmem:v0+s17+$0x0], $0xffff  }
0xa4: {  	s0 =	sand.u32 $0x3FC0, s26;
	v3 =	vld.idx.msk [tilespmem:v3+s17+$0x0], $0xffff;
	[tilespmem:s29+$0xFFFFFFF0] =	vst v5  }
0xa5: {  	s25 =	sadd.s32 $0x40, s25;
	[tilespmem:s0+$0x1A700] =	vst v4  }
0xa6: {  	[tilespmem:s25+$0x10] =	vst v1  }
0xa7: {  	s29 =	sand.u32 $0x3FC0, s28;
	[tilespmem:s25+$0xFFFFFFF0] =	vst v2  }
0xa8: {  	[tilespmem:s29+$0x1A700] =	vst v0  }
0xa9: {  	[tilespmem:s25+$0x0] =	vst v3  }
0xaa: {  	[tilespmem:s17], [sflag:$0x2] =	stream.strided.gather [hbm4b:s8+s15], $0x18700, s16, s15, $0x38;
	[tilespmem:$0x1EB00] =	vst v63  }
0xab: {  	_ = 	snop  }
0xac: {  	[hbm4b:s9+s15] =	stream.strided.scatter [tilespmem:s21], [sflag:$0x4], $0x1000, s16, s15, $0x38;
	[tilespmem:$0x1EB00] =	vst v63  }
0xad: {  	_ =	swait.ge [sflag:s19], $0x18700  }
0xae: {  	[sflag:s19] =	ssyncset.done $0x0  }
0xaf: {  	[sflag:s19] =	ssyncadd.s32 $0xFFFE7900  }
0xb0: {  	_ =	swait.ge [sflag:s22], $0x1000  }
0xb1: {  	[sflag:s22] =	ssyncset.done $0x0  }
0xb2: {  	s30 =	simm.s32 $0x20;
	[sflag:s22] =	ssyncadd.s32 $0xFFFFF000  }
0xb3: {  	v0 =	vld [tilespmem:s30+$0x10];
	_ =	sdelay $0x1  }
0xb4: {  	v2 =	vld [tilespmem:s30+$0xFFFFFFE0]  }
0xb5: {  	v3 =	vld [tilespmem:s30+$0xFFFFFFF0]  }
0xb6: {  	s31 =	simm.s32 $0x60;
	v4 =	vld [tilespmem:s30+$0x0]  }
0xb7: {  	v7 =	vld [tilespmem:s31+$0x10]  }
0xb8: {  	v1 =	vld [tilespmem:s31+$0xFFFFFFF0]  }
0xb9: {  	v6 =	vld [tilespmem:s31+$0xFFFFFFE0]  }
0xba: {  	v8 =	vld.idx.msk [tilespmem:v0+s17+$0x0], $0xffff  }
0xbb: {  	v0 =	vld [tilespmem:s31+$0x0]  }
0xbc: {  	v5 =	vld.idx.msk [tilespmem:v2+s17+$0x0], $0xffff  }
0xbd: {  	v2 =	vld.idx.msk [tilespmem:v3+s17+$0x0], $0xffff  }
0xbe: {  	s25 =	simm.s32 $0x1C720;
	v3 =	vld.idx.msk [tilespmem:v4+s17+$0x0], $0xffff  }
0xbf: {  	s26 =	simm.s32 $0x40;
	s28 =	simm.s32 $0xA0;
	v4 =	vld.idx.msk [tilespmem:v7+s17+$0x0], $0xffff;
	[tilespmem:s25+$0x10] =	vst v8  }
.LBB2_10:
0xc0: {  	v7 =	vld [tilespmem:s28+$0x10];
	s26 =	sadd.s32 $0x40, s26  }
0xc1: {  	v8 =	vld [tilespmem:s28+$0xFFFFFFF0];
	p1 =	slt.u32 s26, $0xFC0;
	[tilespmem:s25+$0xFFFFFFE0] =	vst v5  }
0xc2: {  	v9 =	vld [tilespmem:s28+$0x0];
	[tilespmem:s25+$0xFFFFFFF0] =	vst v2  }
0xc3: {  	v10 =	vld [tilespmem:s28+$0xFFFFFFE0];
	[tilespmem:s25+$0x0] =	vst v3  }
.Ltmp4:
0xc4: {  	s25 =	sadd.s32 $0x40, s25;
	v5 =	vld.idx.msk [tilespmem:v6+s17+$0x0], $0xffff;
	(pc) =	sbr.rel @p1 .LBB2_10-.Ltmp4, $4  }
0xc5: {  	v2 =	vld.idx.msk [tilespmem:v1+s17+$0x0], $0xffff;
	[tilespmem:s25+$0x10] =	vst v4  }
0xc6: {  	v3 =	vld.idx.msk [tilespmem:v0+s17+$0x0], $0xffff;
	v1 =	vmov v8  }
0xc7: {  	v0 =	vmov v9  }
0xc8: {  	s28 =	sadd.s32 $0x40, s28;
	v4 =	vld.idx.msk [tilespmem:v7+s17+$0x0], $0xffff;
	v6 =	vmov v10  }
0xc9: {  	_ =	sdelay $0x3  }
0xca: {  	v6 =	vld.idx.msk [tilespmem:v6+s17+$0x0], $0xffff  }
0xcb: {  	[tilespmem:s25+$0xFFFFFFE0] =	vst v5;
	v1 =	vld.idx.msk [tilespmem:v1+s17+$0x0], $0xffff  }
0xcc: {  	v0 =	vld.idx.msk [tilespmem:v0+s17+$0x0], $0xffff;
	[tilespmem:s25+$0xFFFFFFF0] =	vst v2  }
0xcd: {  	s0 =	sadd.s32 $0x40, s25;
	[tilespmem:s25+$0x0] =	vst v3  }
0xce: {  	[tilespmem:s0+$0x10] =	vst v4  }
0xcf: {  	[tilespmem:s0+$0xFFFFFFE0] =	vst v6  }
0xd0: {  	[tilespmem:s0+$0xFFFFFFF0] =	vst v1  }
0xd1: {  	[tilespmem:s0+$0x0] =	vst v0  }
0xd2: {  	[hbm4b:s10+s15] =	stream.strided.scatter [tilespmem:s20], [sflag:$0x3], $0x1000, s16, s15, $0x38;
	[tilespmem:$0x1EB00] =	vst v63  }
0xd3: {  	_ =	swait.ge [sflag:s23], $0x1000  }
0xd4: {  	[sflag:s23] =	ssyncset.done $0x0  }
0xd5: {  	s25 =	simm.s32 $0x1030;
	[sflag:s23] =	ssyncadd.s32 $0xFFFFF000  }
0xd6: {  	v0 =	vld [tilespmem:s25+$0x0]  }
0xd7: {  	v3 =	vld [tilespmem:s25+$0xFFFFFFF0];
	_ =	sdelay $0x2  }
0xd8: {  	v4 =	vld [tilespmem:s25+$0xFFFFFFE0]  }
0xd9: {  	s26 =	simm.s32 $0x1070;
	v7 =	vld [tilespmem:s25+$0xFFFFFFD0]  }
0xda: {  	v1 =	vld [tilespmem:s26+$0x0]  }
0xdb: {  	v2 =	vld [tilespmem:s26+$0xFFFFFFE0]  }
0xdc: {  	v8 =	vld.idx.msk [tilespmem:v0+s17+$0x0], $0xffff  }
0xdd: {  	v6 =	vld.idx.msk [tilespmem:v3+s17+$0x0], $0xffff  }
0xde: {  	v3 =	vld [tilespmem:s26+$0xFFFFFFF0]  }
0xdf: {  	v0 =	vld [tilespmem:s26+$0xFFFFFFD0]  }
0xe0: {  	s30 =	simm.s32 $0x1040;
	s31 =	simm.s32 $0x10B0;
	s25 =	simm.s32 $0x1D720;
	v5 =	vld.idx.msk [tilespmem:v4+s17+$0x0], $0xffff  }
0xe1: {  	s29 =	simm.s32 $0x1D720;
	s28 =	simm.s32 $0x1040;
	s26 =	simm.s32 $0x1000;
	v4 =	vld.idx.msk [tilespmem:v7+s17+$0x0], $0xffff;
	[tilespmem:s25+$0x10] =	vst v8  }
.LBB2_12:
0xe2: {  	s30 =	sadd.s32 $0x40, s30;
	v7 =	vld.idx.msk [tilespmem:v1+s17+$0x0], $0xffff;
	s25 =	sadd.s32 $0x40, s25  }
0xe3: {  	v1 =	vld [tilespmem:s31+$0x0];
	p1 =	slt.u32 s30, $0x1FC0;
	[tilespmem:s29+$0x0] =	vst v6  }
0xe4: {  	s0 =	sand.u32 $0x1FC0, s26;
	s26 =	smov.u32 s28;
	s28 =	smov.u32 s30;
	v8 =	vld [tilespmem:s31+$0xFFFFFFD0]  }
0xe5: {  	v9 =	vld [tilespmem:s31+$0xFFFFFFE0];
	[tilespmem:s29+$0xFFFFFFF0] =	vst v5;
	s29 =	smov.u32 s25  }
.Ltmp5:
0xe6: {  	v6 =	vld.idx.msk [tilespmem:v3+s17+$0x0], $0xffff;
	[tilespmem:s0+$0x1C700] =	vst v4;
	(pc) =	sbr.rel @p1 .LBB2_12-.Ltmp5, $4  }
0xe7: {  	v3 =	vld [tilespmem:s31+$0xFFFFFFF0]  }
0xe8: {  	v5 =	vld.idx.msk [tilespmem:v2+s17+$0x0], $0xffff;
	[tilespmem:s25+$0x10] =	vst v7  }
0xe9: {  	v4 =	vld.idx.msk [tilespmem:v0+s17+$0x0], $0xffff;
	v0 =	vmov v8  }
0xea: {  	s31 =	sadd.s32 $0x40, s31;
	v2 =	vmov v9  }
0xeb: {  	_ =	sdelay $0x3  }
0xec: {  	v1 =	vld.idx.msk [tilespmem:v1+s17+$0x0], $0xffff  }
0xed: {  	v2 =	vld.idx.msk [tilespmem:v2+s17+$0x0], $0xffff  }
0xee: {  	[tilespmem:s29+$0x0] =	vst v6;
	v0 =	vld.idx.msk [tilespmem:v0+s17+$0x0], $0xffff  }
0xef: {  	s0 =	sand.u32 $0x1FC0, s26;
	v3 =	vld.idx.msk [tilespmem:v3+s17+$0x0], $0xffff;
	[tilespmem:s29+$0xFFFFFFF0] =	vst v5  }
0xf0: {  	s25 =	sadd.s32 $0x40, s25;
	[tilespmem:s0+$0x1C700] =	vst v4  }
0xf1: {  	[tilespmem:s25+$0x10] =	vst v1  }
0xf2: {  	s26 =	sand.u32 $0x1FC0, s28;
	[tilespmem:s25+$0xFFFFFFF0] =	vst v2  }
0xf3: {  	[tilespmem:s26+$0x1C700] =	vst v0  }
0xf4: {  	[tilespmem:s25+$0x0] =	vst v3  }
0xf5: {  	[hbm4b:s11+s15] =	stream.strided.scatter [tilespmem:s21], [sflag:$0x4], $0x1000, s16, s15, $0x38;
	[tilespmem:$0x1EB00] =	vst v63  }
0xf6: {  	_ =	swait.ge [sflag:s22], $0x1000  }
0xf7: {  	[sflag:s22] =	ssyncset.done $0x0  }
0xf8: {  	s25 =	simm.s32 $0x2030;
	[sflag:s22] =	ssyncadd.s32 $0xFFFFF000  }
0xf9: {  	v0 =	vld [tilespmem:s25+$0x0]  }
0xfa: {  	v3 =	vld [tilespmem:s25+$0xFFFFFFF0];
	_ =	sdelay $0x2  }
0xfb: {  	v4 =	vld [tilespmem:s25+$0xFFFFFFE0]  }
0xfc: {  	s26 =	simm.s32 $0x2070;
	v7 =	vld [tilespmem:s25+$0xFFFFFFD0]  }
0xfd: {  	v1 =	vld [tilespmem:s26+$0x0]  }
0xfe: {  	v2 =	vld [tilespmem:s26+$0xFFFFFFE0]  }
0xff: {  	v8 =	vld.idx.msk [tilespmem:v0+s17+$0x0], $0xffff  }
0x100: {  	v6 =	vld.idx.msk [tilespmem:v3+s17+$0x0], $0xffff  }
0x101: {  	v3 =	vld [tilespmem:s26+$0xFFFFFFF0]  }
0x102: {  	v0 =	vld [tilespmem:s26+$0xFFFFFFD0]  }
0x103: {  	s30 =	simm.s32 $0x2040;
	s31 =	simm.s32 $0x20B0;
	s25 =	simm.s32 $0x1C720;
	v5 =	vld.idx.msk [tilespmem:v4+s17+$0x0], $0xffff  }
0x104: {  	s28 =	simm.s32 $0x2040;
	s29 =	simm.s32 $0x1C720;
	s26 =	simm.s32 $0x2000;
	v4 =	vld.idx.msk [tilespmem:v7+s17+$0x0], $0xffff;
	[tilespmem:s25+$0x10] =	vst v8  }
.LBB2_14:
0x105: {  	s30 =	sadd.s32 $0x40, s30;
	v7 =	vld.idx.msk [tilespmem:v1+s17+$0x0], $0xffff;
	s25 =	sadd.s32 $0x40, s25  }
0x106: {  	v1 =	vld [tilespmem:s31+$0x0];
	p1 =	slt.u32 s30, $0x2FC0;
	[tilespmem:s29+$0x0] =	vst v6  }
0x107: {  	s0 =	sand.u32 $0x3FC0, s26;
	s26 =	smov.u32 s28;
	s28 =	smov.u32 s30;
	v8 =	vld [tilespmem:s31+$0xFFFFFFD0]  }
0x108: {  	v9 =	vld [tilespmem:s31+$0xFFFFFFE0];
	[tilespmem:s29+$0xFFFFFFF0] =	vst v5;
	s29 =	smov.u32 s25  }
.Ltmp6:
0x109: {  	v6 =	vld.idx.msk [tilespmem:v3+s17+$0x0], $0xffff;
	[tilespmem:s0+$0x1A700] =	vst v4;
	(pc) =	sbr.rel @p1 .LBB2_14-.Ltmp6, $4  }
0x10a: {  	v3 =	vld [tilespmem:s31+$0xFFFFFFF0]  }
0x10b: {  	v5 =	vld.idx.msk [tilespmem:v2+s17+$0x0], $0xffff;
	[tilespmem:s25+$0x10] =	vst v7  }
0x10c: {  	v4 =	vld.idx.msk [tilespmem:v0+s17+$0x0], $0xffff;
	v0 =	vmov v8  }
0x10d: {  	s31 =	sadd.s32 $0x40, s31;
	v2 =	vmov v9  }
0x10e: {  	_ =	sdelay $0x3  }
0x10f: {  	v1 =	vld.idx.msk [tilespmem:v1+s17+$0x0], $0xffff  }
0x110: {  	v2 =	vld.idx.msk [tilespmem:v2+s17+$0x0], $0xffff  }
0x111: {  	[tilespmem:s29+$0x0] =	vst v6;
	v0 =	vld.idx.msk [tilespmem:v0+s17+$0x0], $0xffff  }
0x112: {  	s0 =	sand.u32 $0x3FC0, s26;
	v3 =	vld.idx.msk [tilespmem:v3+s17+$0x0], $0xffff;
	[tilespmem:s29+$0xFFFFFFF0] =	vst v5  }
0x113: {  	s25 =	sadd.s32 $0x40, s25;
	[tilespmem:s0+$0x1A700] =	vst v4  }
0x114: {  	[tilespmem:s25+$0x10] =	vst v1  }
0x115: {  	s26 =	sand.u32 $0x3FC0, s28;
	[tilespmem:s25+$0xFFFFFFF0] =	vst v2  }
0x116: {  	[tilespmem:s26+$0x1A700] =	vst v0  }
0x117: {  	[tilespmem:s25+$0x0] =	vst v3  }
0x118: {  	[hbm4b:s12+s15] =	stream.strided.scatter [tilespmem:s20], [sflag:$0x3], $0x1000, s16, s15, $0x38;
	[tilespmem:$0x1EB00] =	vst v63  }
0x119: {  	_ =	swait.ge [sflag:s23], $0x1000  }
0x11a: {  	[sflag:s23] =	ssyncset.done $0x0  }
0x11b: {  	s25 =	simm.s32 $0x3030;
	[sflag:s23] =	ssyncadd.s32 $0xFFFFF000  }
0x11c: {  	v0 =	vld [tilespmem:s25+$0x0]  }
0x11d: {  	v3 =	vld [tilespmem:s25+$0xFFFFFFF0];
	_ =	sdelay $0x2  }
0x11e: {  	v4 =	vld [tilespmem:s25+$0xFFFFFFE0]  }
0x11f: {  	s26 =	simm.s32 $0x3070;
	v7 =	vld [tilespmem:s25+$0xFFFFFFD0]  }
0x120: {  	v1 =	vld [tilespmem:s26+$0x0]  }
0x121: {  	v2 =	vld [tilespmem:s26+$0xFFFFFFE0]  }
0x122: {  	v8 =	vld.idx.msk [tilespmem:v0+s17+$0x0], $0xffff  }
0x123: {  	v6 =	vld.idx.msk [tilespmem:v3+s17+$0x0], $0xffff  }
0x124: {  	v3 =	vld [tilespmem:s26+$0xFFFFFFF0]  }
0x125: {  	v0 =	vld [tilespmem:s26+$0xFFFFFFD0]  }
0x126: {  	s30 =	simm.s32 $0x3040;
	s31 =	simm.s32 $0x30B0;
	s25 =	simm.s32 $0x1D720;
	v5 =	vld.idx.msk [tilespmem:v4+s17+$0x0], $0xffff  }
0x127: {  	s28 =	simm.s32 $0x3040;
	s29 =	simm.s32 $0x1D720;
	s26 =	simm.s32 $0x3000;
	v4 =	vld.idx.msk [tilespmem:v7+s17+$0x0], $0xffff;
	[tilespmem:s25+$0x10] =	vst v8  }
.LBB2_16:
0x128: {  	s30 =	sadd.s32 $0x40, s30;
	v7 =	vld.idx.msk [tilespmem:v1+s17+$0x0], $0xffff;
	s25 =	sadd.s32 $0x40, s25  }
0x129: {  	v1 =	vld [tilespmem:s31+$0x0];
	p1 =	slt.u32 s30, $0x3FC0;
	[tilespmem:s29+$0x0] =	vst v6  }
0x12a: {  	s0 =	sand.u32 $0x3FC0, s26;
	s26 =	smov.u32 s28;
	s28 =	smov.u32 s30;
	v8 =	vld [tilespmem:s31+$0xFFFFFFD0]  }
0x12b: {  	v9 =	vld [tilespmem:s31+$0xFFFFFFE0];
	[tilespmem:s29+$0xFFFFFFF0] =	vst v5;
	s29 =	smov.u32 s25  }
.Ltmp7:
0x12c: {  	v6 =	vld.idx.msk [tilespmem:v3+s17+$0x0], $0xffff;
	[tilespmem:s0+$0x1A700] =	vst v4;
	(pc) =	sbr.rel @p1 .LBB2_16-.Ltmp7, $4  }
0x12d: {  	v3 =	vld [tilespmem:s31+$0xFFFFFFF0]  }
0x12e: {  	v5 =	vld.idx.msk [tilespmem:v2+s17+$0x0], $0xffff;
	[tilespmem:s25+$0x10] =	vst v7  }
0x12f: {  	v4 =	vld.idx.msk [tilespmem:v0+s17+$0x0], $0xffff;
	v0 =	vmov v8  }
0x130: {  	s31 =	sadd.s32 $0x40, s31;
	v2 =	vmov v9  }
0x131: {  	_ =	sdelay $0x3  }
0x132: {  	v1 =	vld.idx.msk [tilespmem:v1+s17+$0x0], $0xffff  }
0x133: {  	v2 =	vld.idx.msk [tilespmem:v2+s17+$0x0], $0xffff  }
0x134: {  	[tilespmem:s29+$0x0] =	vst v6;
	v0 =	vld.idx.msk [tilespmem:v0+s17+$0x0], $0xffff  }
0x135: {  	s0 =	sand.u32 $0x3FC0, s26;
	v3 =	vld.idx.msk [tilespmem:v3+s17+$0x0], $0xffff;
	[tilespmem:s29+$0xFFFFFFF0] =	vst v5  }
0x136: {  	s25 =	sadd.s32 $0x40, s25;
	[tilespmem:s0+$0x1A700] =	vst v4  }
0x137: {  	[tilespmem:s25+$0x10] =	vst v1  }
0x138: {  	s31 =	sand.u32 $0x3FC0, s28;
	[tilespmem:s25+$0xFFFFFFF0] =	vst v2  }
0x139: {  	[tilespmem:s31+$0x1A700] =	vst v0  }
0x13a: {  	s24 =	sadd.s32 $0x1, s24;
	[tilespmem:s25+$0x0] =	vst v3  }
0x13b: {  	[hbm4b:s13+s15] =	stream.strided.scatter [tilespmem:s21], [sflag:$0x4], $0x1000, s16, s15, $0x38;
	[tilespmem:$0x1EB00] =	vst v63  }
0x13c: {  	p1 =	sne.s32 s24, s14;
	_ =	swait.ge [sflag:s22], $0x1000  }
.Ltmp8:
0x13d: {  	[sflag:s22] =	ssyncset.done $0x0;
	(pc) =	sbr.rel @p1 .LBB2_1-.Ltmp8, $4  }
0x13e: {  	[sflag:s22] =	ssyncadd.s32 $0xFFFFF000  }
0x13f: {  	_ =	swait.ge [sflag:s23], $0x1000  }
0x140: {  	[sflag:s23] =	ssyncset.done $0x0  }
0x141: {  	[sflag:s23] =	ssyncadd.s32 $0xFFFFF000  }
0x142: {  	_ =	sfence.sel $0x180000  }
0x143: {  	[bflag:$0x0] =	sbarrier.arrive $0xFFFF  }
0x144: {  	_ =	strace $0x90000047  }
0x145: {  	[bflag:$0x2] =	sbarrier.arrive $0xFFFF  }
0x146: {  	s0 =	rddreg [dreg:$0x4]  }
0x147: {  	s0 =	sadd.s32 @!p0 $0x100000, s0  }
0x148: {  	[sflag:s0] =	ssyncadd.tile.s32 @!p0 $0x1;
	_ =	shalt  }
.Lfunc_end2:
_tile_overlayer_lowered:
.L_overlay_start_2:
0x149: {  	(tag) =	ssettag $0x2  }
0x14a: {  	s0 =	rddreg [dreg:$0x0];
	s2 =	stileid.u32  }
0x14b: {  	s1 =	rddreg [dreg:$0x1];
	p0 =	sne.s32 s2, $0x0  }
0x14c: {  	s3 =	rddreg [dreg:$0x2];
	[bflag:$0x3] =	sbarrier.arrive $0xFFFF;
	s2 =	simm.s32 @!p0 $0x1C05  }
0x14d: {  	[timem:s3], [sflag:s2] =	dma.local @!p0 [hbm:s0], s1  }
0x14e: {  	s0 =	simm.s32 @!p0 $0x5  }
0x14f: {  	_ =	swait.ge @!p0 [sflag:s0], s1  }
0x150: {  	s1 =	ssub.s32 @!p0 $0x0, s1;
	[sflag:s0] =	ssyncset.done @!p0 $0x0  }
0x151: {  	[sflag:s0] =	ssyncadd.s32 @!p0 s1  }
0x152: {  	[bflag:$0x3] =	sbarrier.arrive $0xFFFF  }
0x153: {  	_ =	shalt  }

</sc_bundles>
